<compile_context>
chip_gen: v7x
topology: tpu7x:2x2x1
jax: 0.10.2.dev20260603
libtpu: 0.0.44.dev20260713+nightly
codegen_flags: <defaults>
</compile_context>

<pallas_src>
import functools

import jax
import jax.numpy as jnp
from jax import lax
from jax.experimental import pallas as pl
from jax.experimental.pallas import tpu as pltpu
from jax.experimental.pallas import tpu_sc as plsc

N = 10000
DI = 128
DO = 128
E_RAW = 320000
E_TOT = E_RAW + N
NC = 2
NS = 16
NW = NC * NS
CH = 128
NBUF = 2
NPH = 2
PHC = 42
NCHUNK = NPH * PHC
E_PAD = NW * NCHUNK * CH
NPAD = 10240
RPT = NPAD // NS
NPZ = 10240
RPTZ = NPZ // NS

GRID_SIZE = 5
SPLINE_ORDER = 3
NB = GRID_SIZE + SPLINE_ORDER
H = 2.0 / GRID_SIZE
T0 = -1.0 - SPLINE_ORDER * H

@functools.cache
def _mesh():
    return plsc.VectorSubcoreMesh(
        core_axis_name="c", subcore_axis_name="s", num_cores=NC, num_subcores=NS)


def _sc_hist_body(dst_hbm, zdeg_hbm, deg_out, didx, ones, degsh, sem):
    c = lax.axis_index("c")
    s = lax.axis_index("s")
    wid = s * NC + c
    for i in range(CH // 16):
        ones[pl.ds(i * 16, 16)] = jnp.ones((16,), jnp.float32)
    pltpu.sync_copy(zdeg_hbm.at[pl.ds(s * RPT, RPT)], degsh.at[pl.ds(s * RPT, RPT)])
    pltpu.async_copy(dst_hbm.at[wid], didx, sem).wait()
    plsc.subcore_barrier()

    def step(j, carry):
        pltpu.sync_copy(ones, degsh.at[didx.at[j]], add=True)
        return carry

    lax.fori_loop(0, NCHUNK, step, 0)
    plsc.subcore_barrier()
    pltpu.sync_copy(degsh.at[pl.ds(s * RPT, RPT)], deg_out.at[c, pl.ds(s * RPT, RPT)])


@functools.cache
def _sc_hist():
    return pl.kernel(
        _sc_hist_body,
        out_type=jax.ShapeDtypeStruct((NC, NPAD), jnp.float32),
        mesh=_mesh(),
        scratch_types=[
            pltpu.VMEM((NCHUNK, CH), jnp.int32),
            pltpu.VMEM((CH,), jnp.float32),
            pltpu.VMEM_SHARED((NPAD,), jnp.float32),
            pltpu.SemaphoreType.DMA,
        ],
    )


def _tc_scale_body(x_ref, deg_ref, y_ref):
    deg = deg_ref[0] + deg_ref[1]
    dinv = lax.rsqrt(jnp.maximum(deg, 1.0))
    y_ref[...] = x_ref[...] * dinv


def _tc_scale(x, deg2):
    R = 400
    grid = N // R
    deg3 = deg2.reshape(NC, NPAD, 1)
    return pl.pallas_call(
        _tc_scale_body,
        grid=(grid,),
        in_specs=[
            pl.BlockSpec((R, DI), lambda i: (i, 0)),
            pl.BlockSpec((NC, R, 1), lambda i: (0, i, 0)),
        ],
        out_specs=pl.BlockSpec((R, DI), lambda i: (i, 0)),
        out_shape=jax.ShapeDtypeStruct((N, DI), jnp.float32),
    )(x, deg3)


def _sc_agg_body(src_hbm, dst_hbm, y_hbm, z_out,
                 sidx, didx, rows0, rows1, zsh, isem, g0, g1, s0, s1):
    c = lax.axis_index("c")
    s = lax.axis_index("s")
    wid = s * NC + c
    rows = (rows0, rows1)
    gsems = (g0, g1)

    def zrow(i, carry):
        for j in range(DI // 16):
            rows0[i, pl.ds(j * 16, 16)] = jnp.zeros((16,), jnp.float32)
        return carry

    lax.fori_loop(0, CH, zrow, 0)
    for k in range(RPTZ // CH):
        pltpu.sync_copy(rows0, zsh.at[pl.ds(s * RPTZ + k * CH, CH)])

    def stage_idx(p):
        pltpu.async_copy(src_hbm.at[wid, p], sidx, isem)
        pltpu.async_copy(dst_hbm.at[wid, p], didx, isem)

    def wait_idx(p):
        pltpu.make_async_copy(src_hbm.at[wid, p], sidx, isem).wait()
        pltpu.make_async_copy(dst_hbm.at[wid, p], didx, isem).wait()

    ssems = (s0, s1)

    def fire_scatter(local, b):
        pltpu.async_copy(rows[b], zsh.at[didx.at[local]], ssems[b], add=True)

    def wait_scatter(local, b):
        pltpu.make_async_copy(rows[b], zsh.at[didx.at[local]],
                              ssems[b]).wait()

    stage_idx(0)
    wait_idx(0)
    plsc.subcore_barrier()

    def fire(local, b):
        pltpu.async_copy(y_hbm.at[sidx.at[local]], rows[b], gsems[b])

    def wait_gather(local, b):
        pltpu.make_async_copy(y_hbm.at[sidx.at[local]], rows[b],
                              gsems[b]).wait()

    def scatter(local, b):
        pltpu.sync_copy(rows[b], zsh.at[didx.at[local]], add=True)

    for p in range(NPH):
        if p > 0:
            wait_idx(p)
        fire(0, 0)
        fire(1, 1)

        def pair(i, carry):
            for b in range(NBUF):
                local = 2 * i + b
                wait_gather(local, b)
                scatter(local, b)
                fire(local + 2, b)
            return carry

        lax.fori_loop(0, PHC // 2 - 1, pair, 0)
        for b in range(NBUF):
            wait_gather(PHC - 2 + b, b)
            scatter(PHC - 2 + b, b)
        if p + 1 < NPH:
            stage_idx(p + 1)

    plsc.subcore_barrier()
    pltpu.sync_copy(zsh.at[pl.ds(s * RPTZ, RPTZ)],
                    z_out.at[c, pl.ds(s * RPTZ, RPTZ)])


@functools.cache
def _sc_agg():
    return pl.kernel(
        _sc_agg_body,
        out_type=jax.ShapeDtypeStruct((NC, NPZ, DI), jnp.float32),
        mesh=_mesh(),
        scratch_types=[
            pltpu.VMEM((PHC, CH), jnp.int32),
            pltpu.VMEM((PHC, CH), jnp.int32),
            pltpu.VMEM((CH, DI), jnp.float32),
            pltpu.VMEM((CH, DI), jnp.float32),
            pltpu.VMEM_SHARED((NPZ, DI), jnp.float32),
            pltpu.SemaphoreType.DMA,
            pltpu.SemaphoreType.DMA,
            pltpu.SemaphoreType.DMA,
            pltpu.SemaphoreType.DMA,
            pltpu.SemaphoreType.DMA,
        ],
    )


def _bspline_bases(v):
    u = (v - T0) * (1.0 / H)
    m = jnp.floor(u)
    f = u - m
    mi = m.astype(jnp.int32)
    f2 = f * f
    f3 = f2 * f
    one_sixth = 1.0 / 6.0
    p0 = f3 * one_sixth
    p1 = (-3.0 * f3 + 3.0 * f2 + 3.0 * f + 1.0) * one_sixth
    p2 = (3.0 * f3 - 6.0 * f2 + 4.0) * one_sixth
    g = 1.0 - f
    p3 = g * g * g * one_sixth
    zero = jnp.zeros_like(v)
    bases = []
    for j in range(NB):
        b = jnp.where(mi == j, p0, zero)
        b = jnp.where(mi == j + 1, p1, b)
        b = jnp.where(mi == j + 2, p2, b)
        b = jnp.where(mi == j + 3, p3, b)
        bases.append(b)
    return bases


def _kan(v, wb_ref, ws_ref):
    base = jnp.dot(v * jax.nn.sigmoid(v), wb_ref[...],
                   preferred_element_type=jnp.float32)
    acc = base
    for j, bj in enumerate(_bspline_bases(v)):
        acc = acc + jnp.dot(bj, ws_ref[j], preferred_element_type=jnp.float32)
    return acc


def _tc_kan_layer_body(x_ref, wbl_ref, wsl_ref, out_ref):
    out_ref[...] = _kan(x_ref[...], wbl_ref, wsl_ref)


def _tc_kan_layer(x, wbl_t, wsl_t):
    R = 400
    return pl.pallas_call(
        _tc_kan_layer_body,
        grid=(N // R,),
        in_specs=[
            pl.BlockSpec((R, DI), lambda i: (i, 0)),
            pl.BlockSpec((DI, DO), lambda i: (0, 0)),
            pl.BlockSpec((NB, DI, DO), lambda i: (0, 0, 0)),
        ],
        out_specs=pl.BlockSpec((R, DO), lambda i: (i, 0)),
        out_shape=jax.ShapeDtypeStruct((N, DO), jnp.float32),
    )(x, wbl_t, wsl_t)


def _tc_kan_conv_body(z_ref, deg_ref, hl_ref, wbc_ref, wsc_ref, out_ref):
    zb = z_ref[0] + z_ref[1]
    deg = deg_ref[0] + deg_ref[1]
    dinv = lax.rsqrt(jnp.maximum(deg, 1.0))
    agg = zb * dinv
    out_ref[...] = hl_ref[...] + _kan(agg, wbc_ref, wsc_ref)


def _tc_kan_conv(zfull, deg2, hl, wbc_t, wsc_t):
    R = 400
    deg3 = deg2.reshape(NC, NPAD, 1)
    return pl.pallas_call(
        _tc_kan_conv_body,
        grid=(N // R,),
        in_specs=[
            pl.BlockSpec((NC, R, DI), lambda i: (0, i, 0)),
            pl.BlockSpec((NC, R, 1), lambda i: (0, i, 0)),
            pl.BlockSpec((R, DO), lambda i: (i, 0)),
            pl.BlockSpec((DI, DO), lambda i: (0, 0)),
            pl.BlockSpec((NB, DI, DO), lambda i: (0, 0, 0)),
        ],
        out_specs=pl.BlockSpec((R, DO), lambda i: (i, 0)),
        out_shape=jax.ShapeDtypeStruct((N, DO), jnp.float32),
    )(zfull, deg3, hl, wbc_t, wsc_t)


def kernel(x, base_w_l, spline_w_l, base_w_c, spline_w_c, edge_index):
    loop = jnp.arange(N, dtype=jnp.int32)
    pad_src = jnp.arange(E_PAD - E_TOT, dtype=jnp.int32) % N
    pad_dst = N + jnp.arange(E_PAD - E_TOT, dtype=jnp.int32) % (NPZ - N)
    src_flat = jnp.concatenate([edge_index[0], loop, pad_src])
    dst_flat = jnp.concatenate([edge_index[1], loop, pad_dst])
    src4 = src_flat.reshape(NW, NPH, PHC, CH)
    dst4 = dst_flat.reshape(NW, NPH, PHC, CH)
    dst3 = dst_flat.reshape(NW, NCHUNK, CH)
    zdeg = jnp.zeros((NPAD,), jnp.float32)
    wbl_t = base_w_l.T
    wbc_t = base_w_c.T
    wsl_t = jnp.transpose(spline_w_l, (2, 1, 0))
    wsc_t = jnp.transpose(spline_w_c, (2, 1, 0))

    deg2 = _sc_hist()(dst3, zdeg)
    y = _tc_scale(x, deg2)
    zfull = _sc_agg()(src4, dst4, y)
    hl = _tc_kan_layer(x, wbl_t, wsl_t)
    return _tc_kan_conv(zfull, deg2, hl, wbc_t, wsc_t)

# --- scband reference (transcript-rebuilt; emitter-appended) ---
"""Pipeline reference for scband-gkan-conv-layer-45208825757999 (READ-ONLY COPY).

The authoritative reference and input builder live on the scoring server;
editing this copy changes nothing except your own understanding.
"""

import jax, jax.numpy as jnp
import numpy as np

N_NODES = 10000
N_EDGES = 320000
D_IN = 128
D_OUT = 128
GRID_SIZE = 5
SPLINE_ORDER = 3
GRID_RANGE = (-1.0, 1.0)


def make_grid():
    h = (GRID_RANGE[1] - GRID_RANGE[0]) / GRID_SIZE
    return jnp.arange(-SPLINE_ORDER, GRID_SIZE + SPLINE_ORDER + 1, dtype=jnp.float32) * h + GRID_RANGE[0]


def b_splines(x, grid):
    # x: [N, in] -> bases: [N, in, grid_size + spline_order]
    xe = x[..., None]
    bases = ((xe >= grid[:-1]) & (xe < grid[1:])).astype(x.dtype)
    for p in range(1, SPLINE_ORDER + 1):
        left = (xe - grid[:-(p + 1)]) / (grid[p:-1] - grid[:-(p + 1)]) * bases[..., :-1]
        right = (grid[p + 1:] - xe) / (grid[p + 1:] - grid[1:-p]) * bases[..., 1:]
        bases = left + right
    return bases


def kan_apply(x, base_w, spline_w, grid):
    # efficient-KAN layer: silu base branch + learned b-spline branch (scale_and_bias=False)
    base = jax.nn.silu(x) @ base_w.T
    sp = b_splines(x, grid)
    spline = sp.reshape(x.shape[0], -1) @ spline_w.reshape(spline_w.shape[0], -1).T
    return base + spline


def setup_inputs(seed: int = 0) -> dict:
    key = jax.random.key(seed)
    k1, k2, k3, k4, k5, k6 = jax.random.split(key, 6)
    x = jax.random.normal(k1, (N_NODES, D_IN), dtype=jnp.float32)
    edge_index = jax.random.randint(k2, (2, N_EDGES), 0, N_NODES, dtype=jnp.int32)
    s = 1.0 / np.sqrt(D_IN)
    base_w_l = jax.random.normal(k3, (D_OUT, D_IN), dtype=jnp.float32) * s
    spline_w_l = jax.random.normal(k4, (D_OUT, D_IN, GRID_SIZE + SPLINE_ORDER), dtype=jnp.float32) * 0.1
    base_w_c = jax.random.normal(k5, (D_OUT, D_IN), dtype=jnp.float32) * s
    spline_w_c = jax.random.normal(k6, (D_OUT, D_IN, GRID_SIZE + SPLINE_ORDER), dtype=jnp.float32) * 0.1
    return {"x": x, "base_w_l": base_w_l, "spline_w_l": spline_w_l,
            "base_w_c": base_w_c, "spline_w_c": spline_w_c, "edge_index": edge_index}


def reference(x, base_w_l, spline_w_l, base_w_c, spline_w_c, edge_index):
    grid = make_grid()
    # KANLayer branch: pointwise KAN on node features
    h_layer = kan_apply(x, base_w_l, spline_w_l, grid)
    # KANConv branch: aggregate_first with A_hat (GCN) normalization, aggr='add'
    src = edge_index[0]
    dst = edge_index[1]
    loop = jnp.arange(N_NODES, dtype=src.dtype)
    src = jnp.concatenate([src, loop])
    dst = jnp.concatenate([dst, loop])
    deg = jax.ops.segment_sum(jnp.ones_like(dst, dtype=x.dtype), dst, num_segments=N_NODES)
    dinv = jnp.where(deg > 0, jax.lax.rsqrt(jnp.maximum(deg, 1e-12)), 0.0)
    coef = dinv[src] * dinv[dst]
    msg = x[src] * coef[:, None]
    agg = jax.ops.segment_sum(msg, dst, num_segments=N_NODES)
    h_conv = kan_apply(agg, base_w_c, spline_w_c, grid)
    return h_layer + h_conv

if __name__ == "__main__":
    import jax
    _d = setup_inputs()
    print(jax.jit(kernel)(*tuple(_d.values())))

</pallas_src>

<mosaic_0001>
#map = affine_map<(d0, d1) -> (0, 0, 0)>
#map1 = affine_map<(d0, d1) -> (0)>
#map2 = affine_map<(d0, d1) -> (0, 0)>
module attributes {stable_mosaic.version = 14 : i64} {
  func.func @_sc_hist_body(%arg0: i32, %arg1: i32, %arg2: memref<32x84x128xi32, #tpu.memory_space<hbm>>, %arg3: memref<10240xf32, #tpu.memory_space<hbm>>, %arg4: memref<2x10240xf32, #tpu.memory_space<hbm>>, %arg5: memref<84x128xi32, #tpu.memory_space<vmem>>, %arg6: memref<128xf32, #tpu.memory_space<vmem>>, %arg7: memref<10240xf32, #tpu.memory_space<vmem_shared>>, %arg8: memref<!tpu.dma_semaphore, #tpu.memory_space<semaphore_mem>>) attributes {dimension_semantics = [#tpu.dimension_semantics<core_parallel>, #tpu.dimension_semantics<subcore_parallel>], iteration_bounds = array<i64: 2, 16>, scalar_prefetch = 0 : i64, scratch_operands = 4 : i64, tpu.core_type = #tpu.core_type<sc_vector_subcore>, window_params = [{transform_indices = #map}, {transform_indices = #map1}, {transform_indices = #map2}]} {
    %mul3A = arith.constant 2 : i32
    %mul3A_0 = arith.muli %arg1, %mul3A : i32
    %add3A = arith.addi %mul3A_0, %arg0 : i32
    %broadcast_in_dim3A = arith.constant 1.000000e+00 : f32
    %broadcast_in_dim3A_1 = vector.broadcast %broadcast_in_dim3A : f32 to vector<16xf32>
    %swap3A = arith.constant 0 : index
    %swap3A_2 = tpu.vector_load %arg6[%swap3A] {strides = array<i32>} : memref<128xf32, #tpu.memory_space<vmem>>, vector<16xf32>,
    %swap3A_3 = vector.shape_cast %swap3A_2 : vector<16xf32> to vector<16xf32>
    %swap3A_4 = vector.shape_cast %broadcast_in_dim3A_1 : vector<16xf32> to vector<16xf32>
    tpu.vector_store %arg6[%swap3A], %swap3A_4 {strides = array<i32>} : memref<128xf32, #tpu.memory_space<vmem>>, vector<16xf32>,
    %broadcast_in_dim3A_5 = arith.constant 1.000000e+00 : f32
    %broadcast_in_dim3A_6 = vector.broadcast %broadcast_in_dim3A_5 : f32 to vector<16xf32>
    %swap3A_7 = arith.constant 16 : index
    %swap3A_8 = tpu.vector_load %arg6[%swap3A_7] {strides = array<i32>} : memref<128xf32, #tpu.memory_space<vmem>>, vector<16xf32>,
    %swap3A_9 = vector.shape_cast %swap3A_8 : vector<16xf32> to vector<16xf32>
    %swap3A_10 = vector.shape_cast %broadcast_in_dim3A_6 : vector<16xf32> to vector<16xf32>
    tpu.vector_store %arg6[%swap3A_7], %swap3A_10 {strides = array<i32>} : memref<128xf32, #tpu.memory_space<vmem>>, vector<16xf32>,
    %broadcast_in_dim3A_11 = arith.constant 1.000000e+00 : f32
    %broadcast_in_dim3A_12 = vector.broadcast %broadcast_in_dim3A_11 : f32 to vector<16xf32>
    %swap3A_13 = arith.constant 32 : index
    %swap3A_14 = tpu.vector_load %arg6[%swap3A_13] {strides = array<i32>} : memref<128xf32, #tpu.memory_space<vmem>>, vector<16xf32>,
    %swap3A_15 = vector.shape_cast %swap3A_14 : vector<16xf32> to vector<16xf32>
    %swap3A_16 = vector.shape_cast %broadcast_in_dim3A_12 : vector<16xf32> to vector<16xf32>
    tpu.vector_store %arg6[%swap3A_13], %swap3A_16 {strides = array<i32>} : memref<128xf32, #tpu.memory_space<vmem>>, vector<16xf32>,
    %broadcast_in_dim3A_17 = arith.constant 1.000000e+00 : f32
    %broadcast_in_dim3A_18 = vector.broadcast %broadcast_in_dim3A_17 : f32 to vector<16xf32>
    %swap3A_19 = arith.constant 48 : index
    %swap3A_20 = tpu.vector_load %arg6[%swap3A_19] {strides = array<i32>} : memref<128xf32, #tpu.memory_space<vmem>>, vector<16xf32>,
    %swap3A_21 = vector.shape_cast %swap3A_20 : vector<16xf32> to vector<16xf32>
    %swap3A_22 = vector.shape_cast %broadcast_in_dim3A_18 : vector<16xf32> to vector<16xf32>
    tpu.vector_store %arg6[%swap3A_19], %swap3A_22 {strides = array<i32>} : memref<128xf32, #tpu.memory_space<vmem>>, vector<16xf32>,
    %broadcast_in_dim3A_23 = arith.constant 1.000000e+00 : f32
    %broadcast_in_dim3A_24 = vector.broadcast %broadcast_in_dim3A_23 : f32 to vector<16xf32>
    %swap3A_25 = arith.constant 64 : index
    %swap3A_26 = tpu.vector_load %arg6[%swap3A_25] {strides = array<i32>} : memref<128xf32, #tpu.memory_space<vmem>>, vector<16xf32>,
    %swap3A_27 = vector.shape_cast %swap3A_26 : vector<16xf32> to vector<16xf32>
    %swap3A_28 = vector.shape_cast %broadcast_in_dim3A_24 : vector<16xf32> to vector<16xf32>
    tpu.vector_store %arg6[%swap3A_25], %swap3A_28 {strides = array<i32>} : memref<128xf32, #tpu.memory_space<vmem>>, vector<16xf32>,
    %broadcast_in_dim3A_29 = arith.constant 1.000000e+00 : f32
    %broadcast_in_dim3A_30 = vector.broadcast %broadcast_in_dim3A_29 : f32 to vector<16xf32>
    %swap3A_31 = arith.constant 80 : index
    %swap3A_32 = tpu.vector_load %arg6[%swap3A_31] {strides = array<i32>} : memref<128xf32, #tpu.memory_space<vmem>>, vector<16xf32>,
    %swap3A_33 = vector.shape_cast %swap3A_32 : vector<16xf32> to vector<16xf32>
    %swap3A_34 = vector.shape_cast %broadcast_in_dim3A_30 : vector<16xf32> to vector<16xf32>
    tpu.vector_store %arg6[%swap3A_31], %swap3A_34 {strides = array<i32>} : memref<128xf32, #tpu.memory_space<vmem>>, vector<16xf32>,
    %broadcast_in_dim3A_35 = arith.constant 1.000000e+00 : f32
    %broadcast_in_dim3A_36 = vector.broadcast %broadcast_in_dim3A_35 : f32 to vector<16xf32>
    %swap3A_37 = arith.constant 96 : index
    %swap3A_38 = tpu.vector_load %arg6[%swap3A_37] {strides = array<i32>} : memref<128xf32, #tpu.memory_space<vmem>>, vector<16xf32>,
    %swap3A_39 = vector.shape_cast %swap3A_38 : vector<16xf32> to vector<16xf32>
    %swap3A_40 = vector.shape_cast %broadcast_in_dim3A_36 : vector<16xf32> to vector<16xf32>
    tpu.vector_store %arg6[%swap3A_37], %swap3A_40 {strides = array<i32>} : memref<128xf32, #tpu.memory_space<vmem>>, vector<16xf32>,
    %broadcast_in_dim3A_41 = arith.constant 1.000000e+00 : f32
    %broadcast_in_dim3A_42 = vector.broadcast %broadcast_in_dim3A_41 : f32 to vector<16xf32>
    %swap3A_43 = arith.constant 112 : index
    %swap3A_44 = tpu.vector_load %arg6[%swap3A_43] {strides = array<i32>} : memref<128xf32, #tpu.memory_space<vmem>>, vector<16xf32>,
    %swap3A_45 = vector.shape_cast %swap3A_44 : vector<16xf32> to vector<16xf32>
    %swap3A_46 = vector.shape_cast %broadcast_in_dim3A_42 : vector<16xf32> to vector<16xf32>
    tpu.vector_store %arg6[%swap3A_43], %swap3A_46 {strides = array<i32>} : memref<128xf32, #tpu.memory_space<vmem>>, vector<16xf32>,
    %mul3A_47 = arith.constant 640 : i32
    %mul3A_48 = arith.muli %arg1, %mul3A_47 : i32
    %mul3A_49 = arith.constant 640 : i32
    %mul3A_50 = arith.muli %arg1, %mul3A_49 : i32
    "tpu.region"() ({
      %run_scoped3A = tpu.sem_alloc : memref<!tpu.dma_semaphore, #tpu.memory_space<semaphore_mem>>
      %dma_start3A_75 = tpu.memref_slice %arg7[%mul3A_50] : memref<10240xf32, #tpu.memory_space<vmem_shared>> -> memref<640xf32, #tpu.memory_space<vmem_shared>>
      %dma_start3A_76 = tpu.memref_slice %arg3[%mul3A_48] : memref<10240xf32, #tpu.memory_space<hbm>> -> memref<640xf32, #tpu.memory_space<hbm>>
      tpu.enqueue_dma source(%dma_start3A_76 : memref<640xf32, #tpu.memory_space<hbm>>) target(%dma_start3A_75 : memref<640xf32, #tpu.memory_space<vmem_shared>>) target_semaphore(%run_scoped3A : memref<!tpu.dma_semaphore, #tpu.memory_space<semaphore_mem>>)
      %dma_wait3A_77 = tpu.memref_slice %arg7[%mul3A_50] : memref<10240xf32, #tpu.memory_space<vmem_shared>> -> memref<640xf32, #tpu.memory_space<vmem_shared>>
      %dma_wait3A_78 = tpu.memref_slice %arg3[%mul3A_48] : memref<10240xf32, #tpu.memory_space<hbm>> -> memref<640xf32, #tpu.memory_space<hbm>>
      tpu.wait_dma2 semaphore(%run_scoped3A : memref<!tpu.dma_semaphore, #tpu.memory_space<semaphore_mem>>) src(%dma_wait3A_78 : memref<640xf32, #tpu.memory_space<hbm>>) dst(%dma_wait3A_77 : memref<640xf32, #tpu.memory_space<vmem_shared>>)
      tpu.yield
    }) : () -> ()
    %dma_start3A = arith.constant 0 : i32
    %dma_start3A_51 = arith.constant 0 : i32
    %dma_start3A_52 = tpu.memref_slice %arg2[%add3A, %dma_start3A, %dma_start3A_51] : memref<32x84x128xi32, #tpu.memory_space<hbm>> -> memref<1x84x128xi32, #tpu.memory_space<hbm>>
    %dma_start3A_53 = tpu.memref_squeeze %dma_start3A_52 : memref<1x84x128xi32, #tpu.memory_space<hbm>> -> memref<84x128xi32, #tpu.memory_space<hbm>>
    %dma_start3A_54 = arith.constant 0 : i32
    %dma_start3A_55 = arith.constant 0 : i32
    %dma_start3A_56 = tpu.memref_slice %arg2[%add3A, %dma_start3A_54, %dma_start3A_55] : memref<32x84x128xi32, #tpu.memory_space<hbm>> -> memref<1x84x128xi32, #tpu.memory_space<hbm>>
    %dma_start3A_57 = tpu.memref_squeeze %dma_start3A_56 : memref<1x84x128xi32, #tpu.memory_space<hbm>> -> memref<84x128xi32, #tpu.memory_space<hbm>>
    tpu.enqueue_dma source(%dma_start3A_57 : memref<84x128xi32, #tpu.memory_space<hbm>>) target(%arg5 : memref<84x128xi32, #tpu.memory_space<vmem>>) target_semaphore(%arg8 : memref<!tpu.dma_semaphore, #tpu.memory_space<semaphore_mem>>)
    %dma_wait3A = arith.constant 0 : i32
    %dma_wait3A_58 = arith.constant 0 : i32
    %dma_wait3A_59 = tpu.memref_slice %arg2[%add3A, %dma_wait3A, %dma_wait3A_58] : memref<32x84x128xi32, #tpu.memory_space<hbm>> -> memref<1x84x128xi32, #tpu.memory_space<hbm>>
    %dma_wait3A_60 = tpu.memref_squeeze %dma_wait3A_59 : memref<1x84x128xi32, #tpu.memory_space<hbm>> -> memref<84x128xi32, #tpu.memory_space<hbm>>
    %dma_wait3A_61 = arith.constant 0 : i32
    %dma_wait3A_62 = arith.constant 0 : i32
    %dma_wait3A_63 = tpu.memref_slice %arg2[%add3A, %dma_wait3A_61, %dma_wait3A_62] : memref<32x84x128xi32, #tpu.memory_space<hbm>> -> memref<1x84x128xi32, #tpu.memory_space<hbm>>
    %dma_wait3A_64 = tpu.memref_squeeze %dma_wait3A_63 : memref<1x84x128xi32, #tpu.memory_space<hbm>> -> memref<84x128xi32, #tpu.memory_space<hbm>>
    tpu.wait_dma2 semaphore(%arg8 : memref<!tpu.dma_semaphore, #tpu.memory_space<semaphore_mem>>) src(%dma_wait3A_64 : memref<84x128xi32, #tpu.memory_space<hbm>>) dst(%arg5 : memref<84x128xi32, #tpu.memory_space<vmem>>)
    %barrier3A = arith.constant 0 : index
    tpu.barrier barrier_id(%barrier3A)
    %scan3A = arith.constant 0 : i32
    %scan3A_65 = arith.constant 0 : i32
    %scan3A_66 = arith.constant 84 : i32
    %scan3A_67 = arith.addi %scan3A_65, %scan3A_66 : i32
    %scan3A_68 = arith.constant 1 : i32
    scf.for %scan3A_75 = %scan3A_65 to %scan3A_67 step %scan3A_68  : i32 {
      "tpu.region"() ({
        %run_scoped3A = tpu.sem_alloc : memref<!tpu.dma_semaphore, #tpu.memory_space<semaphore_mem>>
        %dma_start3A_76 = arith.constant 0 : i32
        %dma_start3A_77 = tpu.memref_slice %arg5[%scan3A_75, %dma_start3A_76] : memref<84x128xi32, #tpu.memory_space<vmem>> -> memref<1x128xi32, #tpu.memory_space<vmem>>
        %dma_start3A_78 = tpu.memref_squeeze %dma_start3A_77 : memref<1x128xi32, #tpu.memory_space<vmem>> -> memref<128xi32, #tpu.memory_space<vmem>>
        %dma_start3A_79 = arith.constant 0 : i32
        %dma_start3A_80 = tpu.memref_slice %arg7[%dma_start3A_79] : memref<10240xf32, #tpu.memory_space<vmem_shared>> -> memref<10240xf32, #tpu.memory_space<vmem_shared>>
        tpu.enqueue_indirect_dma source(%arg6 : memref<128xf32, #tpu.memory_space<vmem>>) target(%dma_start3A_80 : memref<10240xf32, #tpu.memory_space<vmem_shared>>) offsets(%dma_start3A_78 : memref<128xi32, #tpu.memory_space<vmem>>) semaphore(%run_scoped3A : memref<!tpu.dma_semaphore, #tpu.memory_space<semaphore_mem>>) {add = true}
        %dma_wait3A_81 = arith.constant 0 : i32
        %dma_wait3A_82 = tpu.memref_slice %arg5[%scan3A_75, %dma_wait3A_81] : memref<84x128xi32, #tpu.memory_space<vmem>> -> memref<1x128xi32, #tpu.memory_space<vmem>>
        %dma_wait3A_83 = tpu.memref_squeeze %dma_wait3A_82 : memref<1x128xi32, #tpu.memory_space<vmem>> -> memref<128xi32, #tpu.memory_space<vmem>>
        %dma_wait3A_84 = arith.constant 0 : i32
        %dma_wait3A_85 = tpu.memref_slice %arg7[%dma_wait3A_84] : memref<10240xf32, #tpu.memory_space<vmem_shared>> -> memref<10240xf32, #tpu.memory_space<vmem_shared>>
        tpu.wait_indirect_dma semaphore(%run_scoped3A : memref<!tpu.dma_semaphore, #tpu.memory_space<semaphore_mem>>) src(%arg6 : memref<128xf32, #tpu.memory_space<vmem>>) dst(%dma_wait3A_85 : memref<10240xf32, #tpu.memory_space<vmem_shared>>)
        tpu.yield
      }) : () -> ()
    }
    %scan3A_69 = arith.constant 84 : i32
    %barrier3A_70 = arith.constant 0 : index
    tpu.barrier barrier_id(%barrier3A_70)
    %mul3A_71 = arith.constant 640 : i32
    %mul3A_72 = arith.muli %arg1, %mul3A_71 : i32
    %mul3A_73 = arith.constant 640 : i32
    %mul3A_74 = arith.muli %arg1, %mul3A_73 : i32
    "tpu.region"() ({
      %run_scoped3A = tpu.sem_alloc : memref<!tpu.dma_semaphore, #tpu.memory_space<semaphore_mem>>
      %dma_start3A_75 = tpu.memref_slice %arg4[%arg0, %mul3A_74] : memref<2x10240xf32, #tpu.memory_space<hbm>> -> memref<1x640xf32, #tpu.memory_space<hbm>>
      %dma_start3A_76 = tpu.memref_squeeze %dma_start3A_75 : memref<1x640xf32, #tpu.memory_space<hbm>> -> memref<640xf32, #tpu.memory_space<hbm>>
      %dma_start3A_77 = tpu.memref_slice %arg7[%mul3A_72] : memref<10240xf32, #tpu.memory_space<vmem_shared>> -> memref<640xf32, #tpu.memory_space<vmem_shared>>
      tpu.enqueue_dma source(%dma_start3A_77 : memref<640xf32, #tpu.memory_space<vmem_shared>>) target(%dma_start3A_76 : memref<640xf32, #tpu.memory_space<hbm>>) target_semaphore(%run_scoped3A : memref<!tpu.dma_semaphore, #tpu.memory_space<semaphore_mem>>)
      %dma_wait3A_78 = tpu.memref_slice %arg4[%arg0, %mul3A_74] : memref<2x10240xf32, #tpu.memory_space<hbm>> -> memref<1x640xf32, #tpu.memory_space<hbm>>
      %dma_wait3A_79 = tpu.memref_squeeze %dma_wait3A_78 : memref<1x640xf32, #tpu.memory_space<hbm>> -> memref<640xf32, #tpu.memory_space<hbm>>
      %dma_wait3A_80 = tpu.memref_slice %arg7[%mul3A_72] : memref<10240xf32, #tpu.memory_space<vmem_shared>> -> memref<640xf32, #tpu.memory_space<vmem_shared>>
      tpu.wait_dma2 semaphore(%run_scoped3A : memref<!tpu.dma_semaphore, #tpu.memory_space<semaphore_mem>>) src(%dma_wait3A_80 : memref<640xf32, #tpu.memory_space<vmem_shared>>) dst(%dma_wait3A_79 : memref<640xf32, #tpu.memory_space<hbm>>)
      tpu.yield
    }) : () -> ()
    return
  }
}

#map = affine_map<(d0, d1) -> (0, 0, 0, 0)>
#map1 = affine_map<(d0, d1) -> (0, 0)>
#map2 = affine_map<(d0, d1) -> (0, 0, 0)>
module attributes {stable_mosaic.version = 14 : i64} {
  func.func @_sc_agg_body(%arg0: i32, %arg1: i32, %arg2: memref<32x2x42x128xi32, #tpu.memory_space<hbm>>, %arg3: memref<32x2x42x128xi32, #tpu.memory_space<hbm>>, %arg4: memref<10000x128xf32, #tpu.memory_space<hbm>>, %arg5: memref<2x10240x128xf32, #tpu.memory_space<hbm>>, %arg6: memref<42x128xi32, #tpu.memory_space<vmem>>, %arg7: memref<42x128xi32, #tpu.memory_space<vmem>>, %arg8: memref<128x128xf32, #tpu.memory_space<vmem>>, %arg9: memref<128x128xf32, #tpu.memory_space<vmem>>, %arg10: memref<10240x128xf32, #tpu.memory_space<vmem_shared>>, %arg11: memref<!tpu.dma_semaphore, #tpu.memory_space<semaphore_mem>>, %arg12: memref<!tpu.dma_semaphore, #tpu.memory_space<semaphore_mem>>, %arg13: memref<!tpu.dma_semaphore, #tpu.memory_space<semaphore_mem>>, %arg14: memref<!tpu.dma_semaphore, #tpu.memory_space<semaphore_mem>>, %arg15: memref<!tpu.dma_semaphore, #tpu.memory_space<semaphore_mem>>) attributes {dimension_semantics = [#tpu.dimension_semantics<core_parallel>, #tpu.dimension_semantics<subcore_parallel>], iteration_bounds = array<i64: 2, 16>, scalar_prefetch = 0 : i64, scratch_operands = 10 : i64, tpu.core_type = #tpu.core_type<sc_vector_subcore>, window_params = [{transform_indices = #map}, {transform_indices = #map}, {transform_indices = #map1}, {transform_indices = #map2}]} {
    %mul3A = arith.constant 2 : i32
    %mul3A_0 = arith.muli %arg1, %mul3A : i32
    %add3A = arith.addi %mul3A_0, %arg0 : i32
    %scan3A = arith.constant 0 : i32
    %scan3A_1 = arith.constant 0 : i32
    %scan3A_2 = arith.constant 128 : i32
    %scan3A_3 = arith.addi %scan3A_1, %scan3A_2 : i32
    %scan3A_4 = arith.constant 1 : i32
    scf.for %scan3A_172 = %scan3A_1 to %scan3A_3 step %scan3A_4  : i32 {
      %broadcast_in_dim3A = arith.constant 0.000000e+00 : f32
      %broadcast_in_dim3A_173 = vector.broadcast %broadcast_in_dim3A : f32 to vector<16xf32>
      %swap3A = arith.index_cast %scan3A_172 : i32 to index
      %swap3A_174 = arith.constant 0 : index
      %swap3A_175 = tpu.vector_load %arg8[%swap3A, %swap3A_174] {strides = array<i32>} : memref<128x128xf32, #tpu.memory_space<vmem>>, vector<1x16xf32>,
      %swap3A_176 = vector.shape_cast %swap3A_175 : vector<1x16xf32> to vector<16xf32>
      %swap3A_177 = vector.shape_cast %broadcast_in_dim3A_173 : vector<16xf32> to vector<1x16xf32>
      tpu.vector_store %arg8[%swap3A, %swap3A_174], %swap3A_177 {strides = array<i32>} : memref<128x128xf32, #tpu.memory_space<vmem>>, vector<1x16xf32>,
      %broadcast_in_dim3A_178 = arith.constant 0.000000e+00 : f32
      %broadcast_in_dim3A_179 = vector.broadcast %broadcast_in_dim3A_178 : f32 to vector<16xf32>
      %swap3A_180 = arith.index_cast %scan3A_172 : i32 to index
      %swap3A_181 = arith.constant 16 : index
      %swap3A_182 = tpu.vector_load %arg8[%swap3A_180, %swap3A_181] {strides = array<i32>} : memref<128x128xf32, #tpu.memory_space<vmem>>, vector<1x16xf32>,
      %swap3A_183 = vector.shape_cast %swap3A_182 : vector<1x16xf32> to vector<16xf32>
      %swap3A_184 = vector.shape_cast %broadcast_in_dim3A_179 : vector<16xf32> to vector<1x16xf32>
      tpu.vector_store %arg8[%swap3A_180, %swap3A_181], %swap3A_184 {strides = array<i32>} : memref<128x128xf32, #tpu.memory_space<vmem>>, vector<1x16xf32>,
      %broadcast_in_dim3A_185 = arith.constant 0.000000e+00 : f32
      %broadcast_in_dim3A_186 = vector.broadcast %broadcast_in_dim3A_185 : f32 to vector<16xf32>
      %swap3A_187 = arith.index_cast %scan3A_172 : i32 to index
      %swap3A_188 = arith.constant 32 : index
      %swap3A_189 = tpu.vector_load %arg8[%swap3A_187, %swap3A_188] {strides = array<i32>} : memref<128x128xf32, #tpu.memory_space<vmem>>, vector<1x16xf32>,
      %swap3A_190 = vector.shape_cast %swap3A_189 : vector<1x16xf32> to vector<16xf32>
      %swap3A_191 = vector.shape_cast %broadcast_in_dim3A_186 : vector<16xf32> to vector<1x16xf32>
      tpu.vector_store %arg8[%swap3A_187, %swap3A_188], %swap3A_191 {strides = array<i32>} : memref<128x128xf32, #tpu.memory_space<vmem>>, vector<1x16xf32>,
      %broadcast_in_dim3A_192 = arith.constant 0.000000e+00 : f32
      %broadcast_in_dim3A_193 = vector.broadcast %broadcast_in_dim3A_192 : f32 to vector<16xf32>
      %swap3A_194 = arith.index_cast %scan3A_172 : i32 to index
      %swap3A_195 = arith.constant 48 : index
      %swap3A_196 = tpu.vector_load %arg8[%swap3A_194, %swap3A_195] {strides = array<i32>} : memref<128x128xf32, #tpu.memory_space<vmem>>, vector<1x16xf32>,
      %swap3A_197 = vector.shape_cast %swap3A_196 : vector<1x16xf32> to vector<16xf32>
      %swap3A_198 = vector.shape_cast %broadcast_in_dim3A_193 : vector<16xf32> to vector<1x16xf32>
      tpu.vector_store %arg8[%swap3A_194, %swap3A_195], %swap3A_198 {strides = array<i32>} : memref<128x128xf32, #tpu.memory_space<vmem>>, vector<1x16xf32>,
      %broadcast_in_dim3A_199 = arith.constant 0.000000e+00 : f32
      %broadcast_in_dim3A_200 = vector.broadcast %broadcast_in_dim3A_199 : f32 to vector<16xf32>
      %swap3A_201 = arith.index_cast %scan3A_172 : i32 to index
      %swap3A_202 = arith.constant 64 : index
      %swap3A_203 = tpu.vector_load %arg8[%swap3A_201, %swap3A_202] {strides = array<i32>} : memref<128x128xf32, #tpu.memory_space<vmem>>, vector<1x16xf32>,
      %swap3A_204 = vector.shape_cast %swap3A_203 : vector<1x16xf32> to vector<16xf32>
      %swap3A_205 = vector.shape_cast %broadcast_in_dim3A_200 : vector<16xf32> to vector<1x16xf32>
      tpu.vector_store %arg8[%swap3A_201, %swap3A_202], %swap3A_205 {strides = array<i32>} : memref<128x128xf32, #tpu.memory_space<vmem>>, vector<1x16xf32>,
      %broadcast_in_dim3A_206 = arith.constant 0.000000e+00 : f32
      %broadcast_in_dim3A_207 = vector.broadcast %broadcast_in_dim3A_206 : f32 to vector<16xf32>
      %swap3A_208 = arith.index_cast %scan3A_172 : i32 to index
      %swap3A_209 = arith.constant 80 : index
      %swap3A_210 = tpu.vector_load %arg8[%swap3A_208, %swap3A_209] {strides = array<i32>} : memref<128x128xf32, #tpu.memory_space<vmem>>, vector<1x16xf32>,
      %swap3A_211 = vector.shape_cast %swap3A_210 : vector<1x16xf32> to vector<16xf32>
      %swap3A_212 = vector.shape_cast %broadcast_in_dim3A_207 : vector<16xf32> to vector<1x16xf32>
      tpu.vector_store %arg8[%swap3A_208, %swap3A_209], %swap3A_212 {strides = array<i32>} : memref<128x128xf32, #tpu.memory_space<vmem>>, vector<1x16xf32>,
      %broadcast_in_dim3A_213 = arith.constant 0.000000e+00 : f32
      %broadcast_in_dim3A_214 = vector.broadcast %broadcast_in_dim3A_213 : f32 to vector<16xf32>
      %swap3A_215 = arith.index_cast %scan3A_172 : i32 to index
      %swap3A_216 = arith.constant 96 : index
      %swap3A_217 = tpu.vector_load %arg8[%swap3A_215, %swap3A_216] {strides = array<i32>} : memref<128x128xf32, #tpu.memory_space<vmem>>, vector<1x16xf32>,
      %swap3A_218 = vector.shape_cast %swap3A_217 : vector<1x16xf32> to vector<16xf32>
      %swap3A_219 = vector.shape_cast %broadcast_in_dim3A_214 : vector<16xf32> to vector<1x16xf32>
      tpu.vector_store %arg8[%swap3A_215, %swap3A_216], %swap3A_219 {strides = array<i32>} : memref<128x128xf32, #tpu.memory_space<vmem>>, vector<1x16xf32>,
      %broadcast_in_dim3A_220 = arith.constant 0.000000e+00 : f32
      %broadcast_in_dim3A_221 = vector.broadcast %broadcast_in_dim3A_220 : f32 to vector<16xf32>
      %swap3A_222 = arith.index_cast %scan3A_172 : i32 to index
      %swap3A_223 = arith.constant 112 : index
      %swap3A_224 = tpu.vector_load %arg8[%swap3A_222, %swap3A_223] {strides = array<i32>} : memref<128x128xf32, #tpu.memory_space<vmem>>, vector<1x16xf32>,
      %swap3A_225 = vector.shape_cast %swap3A_224 : vector<1x16xf32> to vector<16xf32>
      %swap3A_226 = vector.shape_cast %broadcast_in_dim3A_221 : vector<16xf32> to vector<1x16xf32>
      tpu.vector_store %arg8[%swap3A_222, %swap3A_223], %swap3A_226 {strides = array<i32>} : memref<128x128xf32, #tpu.memory_space<vmem>>, vector<1x16xf32>,
    }
    %scan3A_5 = arith.constant 128 : i32
    %mul3A_6 = arith.constant 640 : i32
    %mul3A_7 = arith.muli %arg1, %mul3A_6 : i32
    %add3A_8 = arith.constant 0 : i32
    %add3A_9 = arith.addi %mul3A_7, %add3A_8 : i32
    "tpu.region"() ({
      %run_scoped3A_172 = tpu.sem_alloc : memref<!tpu.dma_semaphore, #tpu.memory_space<semaphore_mem>>
      %dma_start3A_173 = arith.constant 0 : i32
      %dma_start3A_174 = tpu.memref_slice %arg10[%add3A_9, %dma_start3A_173] : memref<10240x128xf32, #tpu.memory_space<vmem_shared>> -> memref<128x128xf32, #tpu.memory_space<vmem_shared>>
      %dma_start3A_175 = arith.constant 0 : i32
      %dma_start3A_176 = tpu.memref_slice %arg10[%add3A_9, %dma_start3A_175] : memref<10240x128xf32, #tpu.memory_space<vmem_shared>> -> memref<128x128xf32, #tpu.memory_space<vmem_shared>>
      tpu.enqueue_dma source(%arg8 : memref<128x128xf32, #tpu.memory_space<vmem>>) target(%dma_start3A_176 : memref<128x128xf32, #tpu.memory_space<vmem_shared>>) target_semaphore(%run_scoped3A_172 : memref<!tpu.dma_semaphore, #tpu.memory_space<semaphore_mem>>)
      %dma_wait3A_177 = arith.constant 0 : i32
      %dma_wait3A_178 = tpu.memref_slice %arg10[%add3A_9, %dma_wait3A_177] : memref<10240x128xf32, #tpu.memory_space<vmem_shared>> -> memref<128x128xf32, #tpu.memory_space<vmem_shared>>
      %dma_wait3A_179 = arith.constant 0 : i32
      %dma_wait3A_180 = tpu.memref_slice %arg10[%add3A_9, %dma_wait3A_179] : memref<10240x128xf32, #tpu.memory_space<vmem_shared>> -> memref<128x128xf32, #tpu.memory_space<vmem_shared>>
      tpu.wait_dma2 semaphore(%run_scoped3A_172 : memref<!tpu.dma_semaphore, #tpu.memory_space<semaphore_mem>>) src(%arg8 : memref<128x128xf32, #tpu.memory_space<vmem>>) dst(%dma_wait3A_180 : memref<128x128xf32, #tpu.memory_space<vmem_shared>>)
      tpu.yield
    }) : () -> ()
    %mul3A_10 = arith.constant 640 : i32
    %mul3A_11 = arith.muli %arg1, %mul3A_10 : i32
    %add3A_12 = arith.constant 128 : i32
    %add3A_13 = arith.addi %mul3A_11, %add3A_12 : i32
    "tpu.region"() ({
      %run_scoped3A_172 = tpu.sem_alloc : memref<!tpu.dma_semaphore, #tpu.memory_space<semaphore_mem>>
      %dma_start3A_173 = arith.constant 0 : i32
      %dma_start3A_174 = tpu.memref_slice %arg10[%add3A_13, %dma_start3A_173] : memref<10240x128xf32, #tpu.memory_space<vmem_shared>> -> memref<128x128xf32, #tpu.memory_space<vmem_shared>>
      %dma_start3A_175 = arith.constant 0 : i32
      %dma_start3A_176 = tpu.memref_slice %arg10[%add3A_13, %dma_start3A_175] : memref<10240x128xf32, #tpu.memory_space<vmem_shared>> -> memref<128x128xf32, #tpu.memory_space<vmem_shared>>
      tpu.enqueue_dma source(%arg8 : memref<128x128xf32, #tpu.memory_space<vmem>>) target(%dma_start3A_176 : memref<128x128xf32, #tpu.memory_space<vmem_shared>>) target_semaphore(%run_scoped3A_172 : memref<!tpu.dma_semaphore, #tpu.memory_space<semaphore_mem>>)
      %dma_wait3A_177 = arith.constant 0 : i32
      %dma_wait3A_178 = tpu.memref_slice %arg10[%add3A_13, %dma_wait3A_177] : memref<10240x128xf32, #tpu.memory_space<vmem_shared>> -> memref<128x128xf32, #tpu.memory_space<vmem_shared>>
      %dma_wait3A_179 = arith.constant 0 : i32
      %dma_wait3A_180 = tpu.memref_slice %arg10[%add3A_13, %dma_wait3A_179] : memref<10240x128xf32, #tpu.memory_space<vmem_shared>> -> memref<128x128xf32, #tpu.memory_space<vmem_shared>>
      tpu.wait_dma2 semaphore(%run_scoped3A_172 : memref<!tpu.dma_semaphore, #tpu.memory_space<semaphore_mem>>) src(%arg8 : memref<128x128xf32, #tpu.memory_space<vmem>>) dst(%dma_wait3A_180 : memref<128x128xf32, #tpu.memory_space<vmem_shared>>)
      tpu.yield
    }) : () -> ()
    %mul3A_14 = arith.constant 640 : i32
    %mul3A_15 = arith.muli %arg1, %mul3A_14 : i32
    %add3A_16 = arith.constant 256 : i32
    %add3A_17 = arith.addi %mul3A_15, %add3A_16 : i32
    "tpu.region"() ({
      %run_scoped3A_172 = tpu.sem_alloc : memref<!tpu.dma_semaphore, #tpu.memory_space<semaphore_mem>>
      %dma_start3A_173 = arith.constant 0 : i32
      %dma_start3A_174 = tpu.memref_slice %arg10[%add3A_17, %dma_start3A_173] : memref<10240x128xf32, #tpu.memory_space<vmem_shared>> -> memref<128x128xf32, #tpu.memory_space<vmem_shared>>
      %dma_start3A_175 = arith.constant 0 : i32
      %dma_start3A_176 = tpu.memref_slice %arg10[%add3A_17, %dma_start3A_175] : memref<10240x128xf32, #tpu.memory_space<vmem_shared>> -> memref<128x128xf32, #tpu.memory_space<vmem_shared>>
      tpu.enqueue_dma source(%arg8 : memref<128x128xf32, #tpu.memory_space<vmem>>) target(%dma_start3A_176 : memref<128x128xf32, #tpu.memory_space<vmem_shared>>) target_semaphore(%run_scoped3A_172 : memref<!tpu.dma_semaphore, #tpu.memory_space<semaphore_mem>>)
      %dma_wait3A_177 = arith.constant 0 : i32
      %dma_wait3A_178 = tpu.memref_slice %arg10[%add3A_17, %dma_wait3A_177] : memref<10240x128xf32, #tpu.memory_space<vmem_shared>> -> memref<128x128xf32, #tpu.memory_space<vmem_shared>>
      %dma_wait3A_179 = arith.constant 0 : i32
      %dma_wait3A_180 = tpu.memref_slice %arg10[%add3A_17, %dma_wait3A_179] : memref<10240x128xf32, #tpu.memory_space<vmem_shared>> -> memref<128x128xf32, #tpu.memory_space<vmem_shared>>
      tpu.wait_dma2 semaphore(%run_scoped3A_172 : memref<!tpu.dma_semaphore, #tpu.memory_space<semaphore_mem>>) src(%arg8 : memref<128x128xf32, #tpu.memory_space<vmem>>) dst(%dma_wait3A_180 : memref<128x128xf32, #tpu.memory_space<vmem_shared>>)
      tpu.yield
    }) : () -> ()
    %mul3A_18 = arith.constant 640 : i32
    %mul3A_19 = arith.muli %arg1, %mul3A_18 : i32
    %add3A_20 = arith.constant 384 : i32
    %add3A_21 = arith.addi %mul3A_19, %add3A_20 : i32
    "tpu.region"() ({
      %run_scoped3A_172 = tpu.sem_alloc : memref<!tpu.dma_semaphore, #tpu.memory_space<semaphore_mem>>
      %dma_start3A_173 = arith.constant 0 : i32
      %dma_start3A_174 = tpu.memref_slice %arg10[%add3A_21, %dma_start3A_173] : memref<10240x128xf32, #tpu.memory_space<vmem_shared>> -> memref<128x128xf32, #tpu.memory_space<vmem_shared>>
      %dma_start3A_175 = arith.constant 0 : i32
      %dma_start3A_176 = tpu.memref_slice %arg10[%add3A_21, %dma_start3A_175] : memref<10240x128xf32, #tpu.memory_space<vmem_shared>> -> memref<128x128xf32, #tpu.memory_space<vmem_shared>>
      tpu.enqueue_dma source(%arg8 : memref<128x128xf32, #tpu.memory_space<vmem>>) target(%dma_start3A_176 : memref<128x128xf32, #tpu.memory_space<vmem_shared>>) target_semaphore(%run_scoped3A_172 : memref<!tpu.dma_semaphore, #tpu.memory_space<semaphore_mem>>)
      %dma_wait3A_177 = arith.constant 0 : i32
      %dma_wait3A_178 = tpu.memref_slice %arg10[%add3A_21, %dma_wait3A_177] : memref<10240x128xf32, #tpu.memory_space<vmem_shared>> -> memref<128x128xf32, #tpu.memory_space<vmem_shared>>
      %dma_wait3A_179 = arith.constant 0 : i32
      %dma_wait3A_180 = tpu.memref_slice %arg10[%add3A_21, %dma_wait3A_179] : memref<10240x128xf32, #tpu.memory_space<vmem_shared>> -> memref<128x128xf32, #tpu.memory_space<vmem_shared>>
      tpu.wait_dma2 semaphore(%run_scoped3A_172 : memref<!tpu.dma_semaphore, #tpu.memory_space<semaphore_mem>>) src(%arg8 : memref<128x128xf32, #tpu.memory_space<vmem>>) dst(%dma_wait3A_180 : memref<128x128xf32, #tpu.memory_space<vmem_shared>>)
      tpu.yield
    }) : () -> ()
    %mul3A_22 = arith.constant 640 : i32
    %mul3A_23 = arith.muli %arg1, %mul3A_22 : i32
    %add3A_24 = arith.constant 512 : i32
    %add3A_25 = arith.addi %mul3A_23, %add3A_24 : i32
    "tpu.region"() ({
      %run_scoped3A_172 = tpu.sem_alloc : memref<!tpu.dma_semaphore, #tpu.memory_space<semaphore_mem>>
      %dma_start3A_173 = arith.constant 0 : i32
      %dma_start3A_174 = tpu.memref_slice %arg10[%add3A_25, %dma_start3A_173] : memref<10240x128xf32, #tpu.memory_space<vmem_shared>> -> memref<128x128xf32, #tpu.memory_space<vmem_shared>>
      %dma_start3A_175 = arith.constant 0 : i32
      %dma_start3A_176 = tpu.memref_slice %arg10[%add3A_25, %dma_start3A_175] : memref<10240x128xf32, #tpu.memory_space<vmem_shared>> -> memref<128x128xf32, #tpu.memory_space<vmem_shared>>
      tpu.enqueue_dma source(%arg8 : memref<128x128xf32, #tpu.memory_space<vmem>>) target(%dma_start3A_176 : memref<128x128xf32, #tpu.memory_space<vmem_shared>>) target_semaphore(%run_scoped3A_172 : memref<!tpu.dma_semaphore, #tpu.memory_space<semaphore_mem>>)
      %dma_wait3A_177 = arith.constant 0 : i32
      %dma_wait3A_178 = tpu.memref_slice %arg10[%add3A_25, %dma_wait3A_177] : memref<10240x128xf32, #tpu.memory_space<vmem_shared>> -> memref<128x128xf32, #tpu.memory_space<vmem_shared>>
      %dma_wait3A_179 = arith.constant 0 : i32
      %dma_wait3A_180 = tpu.memref_slice %arg10[%add3A_25, %dma_wait3A_179] : memref<10240x128xf32, #tpu.memory_space<vmem_shared>> -> memref<128x128xf32, #tpu.memory_space<vmem_shared>>
      tpu.wait_dma2 semaphore(%run_scoped3A_172 : memref<!tpu.dma_semaphore, #tpu.memory_space<semaphore_mem>>) src(%arg8 : memref<128x128xf32, #tpu.memory_space<vmem>>) dst(%dma_wait3A_180 : memref<128x128xf32, #tpu.memory_space<vmem_shared>>)
      tpu.yield
    }) : () -> ()
    %dma_start3A = arith.constant 0 : i32
    %dma_start3A_26 = arith.constant 0 : i32
    %dma_start3A_27 = arith.constant 0 : i32
    %dma_start3A_28 = tpu.memref_slice %arg2[%add3A, %dma_start3A, %dma_start3A_26, %dma_start3A_27] : memref<32x2x42x128xi32, #tpu.memory_space<hbm>> -> memref<1x1x42x128xi32, #tpu.memory_space<hbm>>
    %dma_start3A_29 = tpu.memref_squeeze %dma_start3A_28 : memref<1x1x42x128xi32, #tpu.memory_space<hbm>> -> memref<42x128xi32, #tpu.memory_space<hbm>>
    %dma_start3A_30 = arith.constant 0 : i32
    %dma_start3A_31 = arith.constant 0 : i32
    %dma_start3A_32 = tpu.memref_slice %arg2[%add3A, %dma_start3A, %dma_start3A_30, %dma_start3A_31] : memref<32x2x42x128xi32, #tpu.memory_space<hbm>> -> memref<1x1x42x128xi32, #tpu.memory_space<hbm>>
    %dma_start3A_33 = tpu.memref_squeeze %dma_start3A_32 : memref<1x1x42x128xi32, #tpu.memory_space<hbm>> -> memref<42x128xi32, #tpu.memory_space<hbm>>
    tpu.enqueue_dma source(%dma_start3A_33 : memref<42x128xi32, #tpu.memory_space<hbm>>) target(%arg6 : memref<42x128xi32, #tpu.memory_space<vmem>>) target_semaphore(%arg11 : memref<!tpu.dma_semaphore, #tpu.memory_space<semaphore_mem>>)
    %dma_start3A_34 = arith.constant 0 : i32
    %dma_start3A_35 = arith.constant 0 : i32
    %dma_start3A_36 = arith.constant 0 : i32
    %dma_start3A_37 = tpu.memref_slice %arg3[%add3A, %dma_start3A_34, %dma_start3A_35, %dma_start3A_36] : memref<32x2x42x128xi32, #tpu.memory_space<hbm>> -> memref<1x1x42x128xi32, #tpu.memory_space<hbm>>
    %dma_start3A_38 = tpu.memref_squeeze %dma_start3A_37 : memref<1x1x42x128xi32, #tpu.memory_space<hbm>> -> memref<42x128xi32, #tpu.memory_space<hbm>>
    %dma_start3A_39 = arith.constant 0 : i32
    %dma_start3A_40 = arith.constant 0 : i32
    %dma_start3A_41 = tpu.memref_slice %arg3[%add3A, %dma_start3A_34, %dma_start3A_39, %dma_start3A_40] : memref<32x2x42x128xi32, #tpu.memory_space<hbm>> -> memref<1x1x42x128xi32, #tpu.memory_space<hbm>>
    %dma_start3A_42 = tpu.memref_squeeze %dma_start3A_41 : memref<1x1x42x128xi32, #tpu.memory_space<hbm>> -> memref<42x128xi32, #tpu.memory_space<hbm>>
    tpu.enqueue_dma source(%dma_start3A_42 : memref<42x128xi32, #tpu.memory_space<hbm>>) target(%arg7 : memref<42x128xi32, #tpu.memory_space<vmem>>) target_semaphore(%arg11 : memref<!tpu.dma_semaphore, #tpu.memory_space<semaphore_mem>>)
    %dma_wait3A = arith.constant 0 : i32
    %dma_wait3A_43 = arith.constant 0 : i32
    %dma_wait3A_44 = arith.constant 0 : i32
    %dma_wait3A_45 = tpu.memref_slice %arg2[%add3A, %dma_wait3A, %dma_wait3A_43, %dma_wait3A_44] : memref<32x2x42x128xi32, #tpu.memory_space<hbm>> -> memref<1x1x42x128xi32, #tpu.memory_space<hbm>>
    %dma_wait3A_46 = tpu.memref_squeeze %dma_wait3A_45 : memref<1x1x42x128xi32, #tpu.memory_space<hbm>> -> memref<42x128xi32, #tpu.memory_space<hbm>>
    %dma_wait3A_47 = arith.constant 0 : i32
    %dma_wait3A_48 = arith.constant 0 : i32
    %dma_wait3A_49 = tpu.memref_slice %arg2[%add3A, %dma_wait3A, %dma_wait3A_47, %dma_wait3A_48] : memref<32x2x42x128xi32, #tpu.memory_space<hbm>> -> memref<1x1x42x128xi32, #tpu.memory_space<hbm>>
    %dma_wait3A_50 = tpu.memref_squeeze %dma_wait3A_49 : memref<1x1x42x128xi32, #tpu.memory_space<hbm>> -> memref<42x128xi32, #tpu.memory_space<hbm>>
    tpu.wait_dma2 semaphore(%arg11 : memref<!tpu.dma_semaphore, #tpu.memory_space<semaphore_mem>>) src(%dma_wait3A_50 : memref<42x128xi32, #tpu.memory_space<hbm>>) dst(%arg6 : memref<42x128xi32, #tpu.memory_space<vmem>>)
    %dma_wait3A_51 = arith.constant 0 : i32
    %dma_wait3A_52 = arith.constant 0 : i32
    %dma_wait3A_53 = arith.constant 0 : i32
    %dma_wait3A_54 = tpu.memref_slice %arg3[%add3A, %dma_wait3A_51, %dma_wait3A_52, %dma_wait3A_53] : memref<32x2x42x128xi32, #tpu.memory_space<hbm>> -> memref<1x1x42x128xi32, #tpu.memory_space<hbm>>
    %dma_wait3A_55 = tpu.memref_squeeze %dma_wait3A_54 : memref<1x1x42x128xi32, #tpu.memory_space<hbm>> -> memref<42x128xi32, #tpu.memory_space<hbm>>
    %dma_wait3A_56 = arith.constant 0 : i32
    %dma_wait3A_57 = arith.constant 0 : i32
    %dma_wait3A_58 = tpu.memref_slice %arg3[%add3A, %dma_wait3A_51, %dma_wait3A_56, %dma_wait3A_57] : memref<32x2x42x128xi32, #tpu.memory_space<hbm>> -> memref<1x1x42x128xi32, #tpu.memory_space<hbm>>
    %dma_wait3A_59 = tpu.memref_squeeze %dma_wait3A_58 : memref<1x1x42x128xi32, #tpu.memory_space<hbm>> -> memref<42x128xi32, #tpu.memory_space<hbm>>
    tpu.wait_dma2 semaphore(%arg11 : memref<!tpu.dma_semaphore, #tpu.memory_space<semaphore_mem>>) src(%dma_wait3A_59 : memref<42x128xi32, #tpu.memory_space<hbm>>) dst(%arg7 : memref<42x128xi32, #tpu.memory_space<vmem>>)
    %barrier3A = arith.constant 0 : index
    tpu.barrier barrier_id(%barrier3A)
    %dma_start3A_60 = arith.constant 0 : i32
    %dma_start3A_61 = arith.constant 0 : i32
    %dma_start3A_62 = tpu.memref_slice %arg6[%dma_start3A_60, %dma_start3A_61] : memref<42x128xi32, #tpu.memory_space<vmem>> -> memref<1x128xi32, #tpu.memory_space<vmem>>
    %dma_start3A_63 = tpu.memref_squeeze %dma_start3A_62 : memref<1x128xi32, #tpu.memory_space<vmem>> -> memref<128xi32, #tpu.memory_space<vmem>>
    %dma_start3A_64 = arith.constant 0 : i32
    %dma_start3A_65 = arith.constant 0 : i32
    %dma_start3A_66 = tpu.memref_slice %arg4[%dma_start3A_64, %dma_start3A_65] : memref<10000x128xf32, #tpu.memory_space<hbm>> -> memref<10000x128xf32, #tpu.memory_space<hbm>>
    tpu.enqueue_indirect_dma source(%dma_start3A_66 : memref<10000x128xf32, #tpu.memory_space<hbm>>) target(%arg8 : memref<128x128xf32, #tpu.memory_space<vmem>>) offsets(%dma_start3A_63 : memref<128xi32, #tpu.memory_space<vmem>>) semaphore(%arg12 : memref<!tpu.dma_semaphore, #tpu.memory_space<semaphore_mem>>)
    %dma_start3A_67 = arith.constant 1 : i32
    %dma_start3A_68 = arith.constant 0 : i32
    %dma_start3A_69 = tpu.memref_slice %arg6[%dma_start3A_67, %dma_start3A_68] : memref<42x128xi32, #tpu.memory_space<vmem>> -> memref<1x128xi32, #tpu.memory_space<vmem>>
    %dma_start3A_70 = tpu.memref_squeeze %dma_start3A_69 : memref<1x128xi32, #tpu.memory_space<vmem>> -> memref<128xi32, #tpu.memory_space<vmem>>
    %dma_start3A_71 = arith.constant 0 : i32
    %dma_start3A_72 = arith.constant 0 : i32
    %dma_start3A_73 = tpu.memref_slice %arg4[%dma_start3A_71, %dma_start3A_72] : memref<10000x128xf32, #tpu.memory_space<hbm>> -> memref<10000x128xf32, #tpu.memory_space<hbm>>
    tpu.enqueue_indirect_dma source(%dma_start3A_73 : memref<10000x128xf32, #tpu.memory_space<hbm>>) target(%arg9 : memref<128x128xf32, #tpu.memory_space<vmem>>) offsets(%dma_start3A_70 : memref<128xi32, #tpu.memory_space<vmem>>) semaphore(%arg13 : memref<!tpu.dma_semaphore, #tpu.memory_space<semaphore_mem>>)
    %scan3A_74 = arith.constant 0 : i32
    %scan3A_75 = arith.constant 0 : i32
    %scan3A_76 = arith.constant 20 : i32
    %scan3A_77 = arith.addi %scan3A_75, %scan3A_76 : i32
    %scan3A_78 = arith.constant 1 : i32
    scf.for %scan3A_172 = %scan3A_75 to %scan3A_77 step %scan3A_78  : i32 {
      %mul3A_173 = arith.constant 2 : i32
      %mul3A_174 = arith.muli %mul3A_173, %scan3A_172 : i32
      %add3A_175 = arith.constant 0 : i32
      %add3A_176 = arith.addi %mul3A_174, %add3A_175 : i32
      %dma_wait3A_177 = arith.constant 0 : i32
      %dma_wait3A_178 = tpu.memref_slice %arg6[%add3A_176, %dma_wait3A_177] : memref<42x128xi32, #tpu.memory_space<vmem>> -> memref<1x128xi32, #tpu.memory_space<vmem>>
      %dma_wait3A_179 = tpu.memref_squeeze %dma_wait3A_178 : memref<1x128xi32, #tpu.memory_space<vmem>> -> memref<128xi32, #tpu.memory_space<vmem>>
      %dma_wait3A_180 = arith.constant 0 : i32
      %dma_wait3A_181 = arith.constant 0 : i32
      %dma_wait3A_182 = tpu.memref_slice %arg4[%dma_wait3A_180, %dma_wait3A_181] : memref<10000x128xf32, #tpu.memory_space<hbm>> -> memref<10000x128xf32, #tpu.memory_space<hbm>>
      tpu.wait_indirect_dma semaphore(%arg12 : memref<!tpu.dma_semaphore, #tpu.memory_space<semaphore_mem>>) src(%dma_wait3A_182 : memref<10000x128xf32, #tpu.memory_space<hbm>>) dst(%arg8 : memref<128x128xf32, #tpu.memory_space<vmem>>)
      "tpu.region"() ({
        %run_scoped3A_209 = tpu.sem_alloc : memref<!tpu.dma_semaphore, #tpu.memory_space<semaphore_mem>>
        %dma_start3A_210 = arith.constant 0 : i32
        %dma_start3A_211 = tpu.memref_slice %arg7[%add3A_176, %dma_start3A_210] : memref<42x128xi32, #tpu.memory_space<vmem>> -> memref<1x128xi32, #tpu.memory_space<vmem>>
        %dma_start3A_212 = tpu.memref_squeeze %dma_start3A_211 : memref<1x128xi32, #tpu.memory_space<vmem>> -> memref<128xi32, #tpu.memory_space<vmem>>
        %dma_start3A_213 = arith.constant 0 : i32
        %dma_start3A_214 = arith.constant 0 : i32
        %dma_start3A_215 = tpu.memref_slice %arg10[%dma_start3A_213, %dma_start3A_214] : memref<10240x128xf32, #tpu.memory_space<vmem_shared>> -> memref<10240x128xf32, #tpu.memory_space<vmem_shared>>
        tpu.enqueue_indirect_dma source(%arg8 : memref<128x128xf32, #tpu.memory_space<vmem>>) target(%dma_start3A_215 : memref<10240x128xf32, #tpu.memory_space<vmem_shared>>) offsets(%dma_start3A_212 : memref<128xi32, #tpu.memory_space<vmem>>) semaphore(%run_scoped3A_209 : memref<!tpu.dma_semaphore, #tpu.memory_space<semaphore_mem>>) {add = true}
        %dma_wait3A_216 = arith.constant 0 : i32
        %dma_wait3A_217 = tpu.memref_slice %arg7[%add3A_176, %dma_wait3A_216] : memref<42x128xi32, #tpu.memory_space<vmem>> -> memref<1x128xi32, #tpu.memory_space<vmem>>
        %dma_wait3A_218 = tpu.memref_squeeze %dma_wait3A_217 : memref<1x128xi32, #tpu.memory_space<vmem>> -> memref<128xi32, #tpu.memory_space<vmem>>
        %dma_wait3A_219 = arith.constant 0 : i32
        %dma_wait3A_220 = arith.constant 0 : i32
        %dma_wait3A_221 = tpu.memref_slice %arg10[%dma_wait3A_219, %dma_wait3A_220] : memref<10240x128xf32, #tpu.memory_space<vmem_shared>> -> memref<10240x128xf32, #tpu.memory_space<vmem_shared>>
        tpu.wait_indirect_dma semaphore(%run_scoped3A_209 : memref<!tpu.dma_semaphore, #tpu.memory_space<semaphore_mem>>) src(%arg8 : memref<128x128xf32, #tpu.memory_space<vmem>>) dst(%dma_wait3A_221 : memref<10240x128xf32, #tpu.memory_space<vmem_shared>>)
        tpu.yield
      }) : () -> ()
      %add3A_183 = arith.constant 2 : i32
      %add3A_184 = arith.addi %add3A_176, %add3A_183 : i32
      %dma_start3A_185 = arith.constant 0 : i32
      %dma_start3A_186 = tpu.memref_slice %arg6[%add3A_184, %dma_start3A_185] : memref<42x128xi32, #tpu.memory_space<vmem>> -> memref<1x128xi32, #tpu.memory_space<vmem>>
      %dma_start3A_187 = tpu.memref_squeeze %dma_start3A_186 : memref<1x128xi32, #tpu.memory_space<vmem>> -> memref<128xi32, #tpu.memory_space<vmem>>
      %dma_start3A_188 = arith.constant 0 : i32
      %dma_start3A_189 = arith.constant 0 : i32
      %dma_start3A_190 = tpu.memref_slice %arg4[%dma_start3A_188, %dma_start3A_189] : memref<10000x128xf32, #tpu.memory_space<hbm>> -> memref<10000x128xf32, #tpu.memory_space<hbm>>
      tpu.enqueue_indirect_dma source(%dma_start3A_190 : memref<10000x128xf32, #tpu.memory_space<hbm>>) target(%arg8 : memref<128x128xf32, #tpu.memory_space<vmem>>) offsets(%dma_start3A_187 : memref<128xi32, #tpu.memory_space<vmem>>) semaphore(%arg12 : memref<!tpu.dma_semaphore, #tpu.memory_space<semaphore_mem>>)
      %mul3A_191 = arith.constant 2 : i32
      %mul3A_192 = arith.muli %mul3A_191, %scan3A_172 : i32
      %add3A_193 = arith.constant 1 : i32
      %add3A_194 = arith.addi %mul3A_192, %add3A_193 : i32
      %dma_wait3A_195 = arith.constant 0 : i32
      %dma_wait3A_196 = tpu.memref_slice %arg6[%add3A_194, %dma_wait3A_195] : memref<42x128xi32, #tpu.memory_space<vmem>> -> memref<1x128xi32, #tpu.memory_space<vmem>>
      %dma_wait3A_197 = tpu.memref_squeeze %dma_wait3A_196 : memref<1x128xi32, #tpu.memory_space<vmem>> -> memref<128xi32, #tpu.memory_space<vmem>>
      %dma_wait3A_198 = arith.constant 0 : i32
      %dma_wait3A_199 = arith.constant 0 : i32
      %dma_wait3A_200 = tpu.memref_slice %arg4[%dma_wait3A_198, %dma_wait3A_199] : memref<10000x128xf32, #tpu.memory_space<hbm>> -> memref<10000x128xf32, #tpu.memory_space<hbm>>
      tpu.wait_indirect_dma semaphore(%arg13 : memref<!tpu.dma_semaphore, #tpu.memory_space<semaphore_mem>>) src(%dma_wait3A_200 : memref<10000x128xf32, #tpu.memory_space<hbm>>) dst(%arg9 : memref<128x128xf32, #tpu.memory_space<vmem>>)
      "tpu.region"() ({
        %run_scoped3A_209 = tpu.sem_alloc : memref<!tpu.dma_semaphore, #tpu.memory_space<semaphore_mem>>
        %dma_start3A_210 = arith.constant 0 : i32
        %dma_start3A_211 = tpu.memref_slice %arg7[%add3A_194, %dma_start3A_210] : memref<42x128xi32, #tpu.memory_space<vmem>> -> memref<1x128xi32, #tpu.memory_space<vmem>>
        %dma_start3A_212 = tpu.memref_squeeze %dma_start3A_211 : memref<1x128xi32, #tpu.memory_space<vmem>> -> memref<128xi32, #tpu.memory_space<vmem>>
        %dma_start3A_213 = arith.constant 0 : i32
        %dma_start3A_214 = arith.constant 0 : i32
        %dma_start3A_215 = tpu.memref_slice %arg10[%dma_start3A_213, %dma_start3A_214] : memref<10240x128xf32, #tpu.memory_space<vmem_shared>> -> memref<10240x128xf32, #tpu.memory_space<vmem_shared>>
        tpu.enqueue_indirect_dma source(%arg9 : memref<128x128xf32, #tpu.memory_space<vmem>>) target(%dma_start3A_215 : memref<10240x128xf32, #tpu.memory_space<vmem_shared>>) offsets(%dma_start3A_212 : memref<128xi32, #tpu.memory_space<vmem>>) semaphore(%run_scoped3A_209 : memref<!tpu.dma_semaphore, #tpu.memory_space<semaphore_mem>>) {add = true}
        %dma_wait3A_216 = arith.constant 0 : i32
        %dma_wait3A_217 = tpu.memref_slice %arg7[%add3A_194, %dma_wait3A_216] : memref<42x128xi32, #tpu.memory_space<vmem>> -> memref<1x128xi32, #tpu.memory_space<vmem>>
        %dma_wait3A_218 = tpu.memref_squeeze %dma_wait3A_217 : memref<1x128xi32, #tpu.memory_space<vmem>> -> memref<128xi32, #tpu.memory_space<vmem>>
        %dma_wait3A_219 = arith.constant 0 : i32
        %dma_wait3A_220 = arith.constant 0 : i32
        %dma_wait3A_221 = tpu.memref_slice %arg10[%dma_wait3A_219, %dma_wait3A_220] : memref<10240x128xf32, #tpu.memory_space<vmem_shared>> -> memref<10240x128xf32, #tpu.memory_space<vmem_shared>>
        tpu.wait_indirect_dma semaphore(%run_scoped3A_209 : memref<!tpu.dma_semaphore, #tpu.memory_space<semaphore_mem>>) src(%arg9 : memref<128x128xf32, #tpu.memory_space<vmem>>) dst(%dma_wait3A_221 : memref<10240x128xf32, #tpu.memory_space<vmem_shared>>)
        tpu.yield
      }) : () -> ()
      %add3A_201 = arith.constant 2 : i32
      %add3A_202 = arith.addi %add3A_194, %add3A_201 : i32
      %dma_start3A_203 = arith.constant 0 : i32
      %dma_start3A_204 = tpu.memref_slice %arg6[%add3A_202, %dma_start3A_203] : memref<42x128xi32, #tpu.memory_space<vmem>> -> memref<1x128xi32, #tpu.memory_space<vmem>>
      %dma_start3A_205 = tpu.memref_squeeze %dma_start3A_204 : memref<1x128xi32, #tpu.memory_space<vmem>> -> memref<128xi32, #tpu.memory_space<vmem>>
      %dma_start3A_206 = arith.constant 0 : i32
      %dma_start3A_207 = arith.constant 0 : i32
      %dma_start3A_208 = tpu.memref_slice %arg4[%dma_start3A_206, %dma_start3A_207] : memref<10000x128xf32, #tpu.memory_space<hbm>> -> memref<10000x128xf32, #tpu.memory_space<hbm>>
      tpu.enqueue_indirect_dma source(%dma_start3A_208 : memref<10000x128xf32, #tpu.memory_space<hbm>>) target(%arg9 : memref<128x128xf32, #tpu.memory_space<vmem>>) offsets(%dma_start3A_205 : memref<128xi32, #tpu.memory_space<vmem>>) semaphore(%arg13 : memref<!tpu.dma_semaphore, #tpu.memory_space<semaphore_mem>>)
    }
    %scan3A_79 = arith.constant 20 : i32
    %dma_wait3A_80 = arith.constant 40 : i32
    %dma_wait3A_81 = arith.constant 0 : i32
    %dma_wait3A_82 = tpu.memref_slice %arg6[%dma_wait3A_80, %dma_wait3A_81] : memref<42x128xi32, #tpu.memory_space<vmem>> -> memref<1x128xi32, #tpu.memory_space<vmem>>
    %dma_wait3A_83 = tpu.memref_squeeze %dma_wait3A_82 : memref<1x128xi32, #tpu.memory_space<vmem>> -> memref<128xi32, #tpu.memory_space<vmem>>
    %dma_wait3A_84 = arith.constant 0 : i32
    %dma_wait3A_85 = arith.constant 0 : i32
    %dma_wait3A_86 = tpu.memref_slice %arg4[%dma_wait3A_84, %dma_wait3A_85] : memref<10000x128xf32, #tpu.memory_space<hbm>> -> memref<10000x128xf32, #tpu.memory_space<hbm>>
    tpu.wait_indirect_dma semaphore(%arg12 : memref<!tpu.dma_semaphore, #tpu.memory_space<semaphore_mem>>) src(%dma_wait3A_86 : memref<10000x128xf32, #tpu.memory_space<hbm>>) dst(%arg8 : memref<128x128xf32, #tpu.memory_space<vmem>>)
    %run_scoped3A = arith.constant 40 : i32
    "tpu.region"() ({
      %run_scoped3A_172 = tpu.sem_alloc : memref<!tpu.dma_semaphore, #tpu.memory_space<semaphore_mem>>
      %dma_start3A_173 = arith.constant 0 : i32
      %dma_start3A_174 = tpu.memref_slice %arg7[%run_scoped3A, %dma_start3A_173] : memref<42x128xi32, #tpu.memory_space<vmem>> -> memref<1x128xi32, #tpu.memory_space<vmem>>
      %dma_start3A_175 = tpu.memref_squeeze %dma_start3A_174 : memref<1x128xi32, #tpu.memory_space<vmem>> -> memref<128xi32, #tpu.memory_space<vmem>>
      %dma_start3A_176 = arith.constant 0 : i32
      %dma_start3A_177 = arith.constant 0 : i32
      %dma_start3A_178 = tpu.memref_slice %arg10[%dma_start3A_176, %dma_start3A_177] : memref<10240x128xf32, #tpu.memory_space<vmem_shared>> -> memref<10240x128xf32, #tpu.memory_space<vmem_shared>>
      tpu.enqueue_indirect_dma source(%arg8 : memref<128x128xf32, #tpu.memory_space<vmem>>) target(%dma_start3A_178 : memref<10240x128xf32, #tpu.memory_space<vmem_shared>>) offsets(%dma_start3A_175 : memref<128xi32, #tpu.memory_space<vmem>>) semaphore(%run_scoped3A_172 : memref<!tpu.dma_semaphore, #tpu.memory_space<semaphore_mem>>) {add = true}
      %dma_wait3A_179 = arith.constant 0 : i32
      %dma_wait3A_180 = tpu.memref_slice %arg7[%run_scoped3A, %dma_wait3A_179] : memref<42x128xi32, #tpu.memory_space<vmem>> -> memref<1x128xi32, #tpu.memory_space<vmem>>
      %dma_wait3A_181 = tpu.memref_squeeze %dma_wait3A_180 : memref<1x128xi32, #tpu.memory_space<vmem>> -> memref<128xi32, #tpu.memory_space<vmem>>
      %dma_wait3A_182 = arith.constant 0 : i32
      %dma_wait3A_183 = arith.constant 0 : i32
      %dma_wait3A_184 = tpu.memref_slice %arg10[%dma_wait3A_182, %dma_wait3A_183] : memref<10240x128xf32, #tpu.memory_space<vmem_shared>> -> memref<10240x128xf32, #tpu.memory_space<vmem_shared>>
      tpu.wait_indirect_dma semaphore(%run_scoped3A_172 : memref<!tpu.dma_semaphore, #tpu.memory_space<semaphore_mem>>) src(%arg8 : memref<128x128xf32, #tpu.memory_space<vmem>>) dst(%dma_wait3A_184 : memref<10240x128xf32, #tpu.memory_space<vmem_shared>>)
      tpu.yield
    }) : () -> ()
    %dma_wait3A_87 = arith.constant 41 : i32
    %dma_wait3A_88 = arith.constant 0 : i32
    %dma_wait3A_89 = tpu.memref_slice %arg6[%dma_wait3A_87, %dma_wait3A_88] : memref<42x128xi32, #tpu.memory_space<vmem>> -> memref<1x128xi32, #tpu.memory_space<vmem>>
    %dma_wait3A_90 = tpu.memref_squeeze %dma_wait3A_89 : memref<1x128xi32, #tpu.memory_space<vmem>> -> memref<128xi32, #tpu.memory_space<vmem>>
    %dma_wait3A_91 = arith.constant 0 : i32
    %dma_wait3A_92 = arith.constant 0 : i32
    %dma_wait3A_93 = tpu.memref_slice %arg4[%dma_wait3A_91, %dma_wait3A_92] : memref<10000x128xf32, #tpu.memory_space<hbm>> -> memref<10000x128xf32, #tpu.memory_space<hbm>>
    tpu.wait_indirect_dma semaphore(%arg13 : memref<!tpu.dma_semaphore, #tpu.memory_space<semaphore_mem>>) src(%dma_wait3A_93 : memref<10000x128xf32, #tpu.memory_space<hbm>>) dst(%arg9 : memref<128x128xf32, #tpu.memory_space<vmem>>)
    %run_scoped3A_94 = arith.constant 41 : i32
    "tpu.region"() ({
      %run_scoped3A_172 = tpu.sem_alloc : memref<!tpu.dma_semaphore, #tpu.memory_space<semaphore_mem>>
      %dma_start3A_173 = arith.constant 0 : i32
      %dma_start3A_174 = tpu.memref_slice %arg7[%run_scoped3A_94, %dma_start3A_173] : memref<42x128xi32, #tpu.memory_space<vmem>> -> memref<1x128xi32, #tpu.memory_space<vmem>>
      %dma_start3A_175 = tpu.memref_squeeze %dma_start3A_174 : memref<1x128xi32, #tpu.memory_space<vmem>> -> memref<128xi32, #tpu.memory_space<vmem>>
      %dma_start3A_176 = arith.constant 0 : i32
      %dma_start3A_177 = arith.constant 0 : i32
      %dma_start3A_178 = tpu.memref_slice %arg10[%dma_start3A_176, %dma_start3A_177] : memref<10240x128xf32, #tpu.memory_space<vmem_shared>> -> memref<10240x128xf32, #tpu.memory_space<vmem_shared>>
      tpu.enqueue_indirect_dma source(%arg9 : memref<128x128xf32, #tpu.memory_space<vmem>>) target(%dma_start3A_178 : memref<10240x128xf32, #tpu.memory_space<vmem_shared>>) offsets(%dma_start3A_175 : memref<128xi32, #tpu.memory_space<vmem>>) semaphore(%run_scoped3A_172 : memref<!tpu.dma_semaphore, #tpu.memory_space<semaphore_mem>>) {add = true}
      %dma_wait3A_179 = arith.constant 0 : i32
      %dma_wait3A_180 = tpu.memref_slice %arg7[%run_scoped3A_94, %dma_wait3A_179] : memref<42x128xi32, #tpu.memory_space<vmem>> -> memref<1x128xi32, #tpu.memory_space<vmem>>
      %dma_wait3A_181 = tpu.memref_squeeze %dma_wait3A_180 : memref<1x128xi32, #tpu.memory_space<vmem>> -> memref<128xi32, #tpu.memory_space<vmem>>
      %dma_wait3A_182 = arith.constant 0 : i32
      %dma_wait3A_183 = arith.constant 0 : i32
      %dma_wait3A_184 = tpu.memref_slice %arg10[%dma_wait3A_182, %dma_wait3A_183] : memref<10240x128xf32, #tpu.memory_space<vmem_shared>> -> memref<10240x128xf32, #tpu.memory_space<vmem_shared>>
      tpu.wait_indirect_dma semaphore(%run_scoped3A_172 : memref<!tpu.dma_semaphore, #tpu.memory_space<semaphore_mem>>) src(%arg9 : memref<128x128xf32, #tpu.memory_space<vmem>>) dst(%dma_wait3A_184 : memref<10240x128xf32, #tpu.memory_space<vmem_shared>>)
      tpu.yield
    }) : () -> ()
    %dma_start3A_95 = arith.constant 1 : i32
    %dma_start3A_96 = arith.constant 0 : i32
    %dma_start3A_97 = arith.constant 0 : i32
    %dma_start3A_98 = tpu.memref_slice %arg2[%add3A, %dma_start3A_95, %dma_start3A_96, %dma_start3A_97] : memref<32x2x42x128xi32, #tpu.memory_space<hbm>> -> memref<1x1x42x128xi32, #tpu.memory_space<hbm>>
    %dma_start3A_99 = tpu.memref_squeeze %dma_start3A_98 : memref<1x1x42x128xi32, #tpu.memory_space<hbm>> -> memref<42x128xi32, #tpu.memory_space<hbm>>
    %dma_start3A_100 = arith.constant 0 : i32
    %dma_start3A_101 = arith.constant 0 : i32
    %dma_start3A_102 = tpu.memref_slice %arg2[%add3A, %dma_start3A_95, %dma_start3A_100, %dma_start3A_101] : memref<32x2x42x128xi32, #tpu.memory_space<hbm>> -> memref<1x1x42x128xi32, #tpu.memory_space<hbm>>
    %dma_start3A_103 = tpu.memref_squeeze %dma_start3A_102 : memref<1x1x42x128xi32, #tpu.memory_space<hbm>> -> memref<42x128xi32, #tpu.memory_space<hbm>>
    tpu.enqueue_dma source(%dma_start3A_103 : memref<42x128xi32, #tpu.memory_space<hbm>>) target(%arg6 : memref<42x128xi32, #tpu.memory_space<vmem>>) target_semaphore(%arg11 : memref<!tpu.dma_semaphore, #tpu.memory_space<semaphore_mem>>)
    %dma_start3A_104 = arith.constant 1 : i32
    %dma_start3A_105 = arith.constant 0 : i32
    %dma_start3A_106 = arith.constant 0 : i32
    %dma_start3A_107 = tpu.memref_slice %arg3[%add3A, %dma_start3A_104, %dma_start3A_105, %dma_start3A_106] : memref<32x2x42x128xi32, #tpu.memory_space<hbm>> -> memref<1x1x42x128xi32, #tpu.memory_space<hbm>>
    %dma_start3A_108 = tpu.memref_squeeze %dma_start3A_107 : memref<1x1x42x128xi32, #tpu.memory_space<hbm>> -> memref<42x128xi32, #tpu.memory_space<hbm>>
    %dma_start3A_109 = arith.constant 0 : i32
    %dma_start3A_110 = arith.constant 0 : i32
    %dma_start3A_111 = tpu.memref_slice %arg3[%add3A, %dma_start3A_104, %dma_start3A_109, %dma_start3A_110] : memref<32x2x42x128xi32, #tpu.memory_space<hbm>> -> memref<1x1x42x128xi32, #tpu.memory_space<hbm>>
    %dma_start3A_112 = tpu.memref_squeeze %dma_start3A_111 : memref<1x1x42x128xi32, #tpu.memory_space<hbm>> -> memref<42x128xi32, #tpu.memory_space<hbm>>
    tpu.enqueue_dma source(%dma_start3A_112 : memref<42x128xi32, #tpu.memory_space<hbm>>) target(%arg7 : memref<42x128xi32, #tpu.memory_space<vmem>>) target_semaphore(%arg11 : memref<!tpu.dma_semaphore, #tpu.memory_space<semaphore_mem>>)
    %dma_wait3A_113 = arith.constant 1 : i32
    %dma_wait3A_114 = arith.constant 0 : i32
    %dma_wait3A_115 = arith.constant 0 : i32
    %dma_wait3A_116 = tpu.memref_slice %arg2[%add3A, %dma_wait3A_113, %dma_wait3A_114, %dma_wait3A_115] : memref<32x2x42x128xi32, #tpu.memory_space<hbm>> -> memref<1x1x42x128xi32, #tpu.memory_space<hbm>>
    %dma_wait3A_117 = tpu.memref_squeeze %dma_wait3A_116 : memref<1x1x42x128xi32, #tpu.memory_space<hbm>> -> memref<42x128xi32, #tpu.memory_space<hbm>>
    %dma_wait3A_118 = arith.constant 0 : i32
    %dma_wait3A_119 = arith.constant 0 : i32
    %dma_wait3A_120 = tpu.memref_slice %arg2[%add3A, %dma_wait3A_113, %dma_wait3A_118, %dma_wait3A_119] : memref<32x2x42x128xi32, #tpu.memory_space<hbm>> -> memref<1x1x42x128xi32, #tpu.memory_space<hbm>>
    %dma_wait3A_121 = tpu.memref_squeeze %dma_wait3A_120 : memref<1x1x42x128xi32, #tpu.memory_space<hbm>> -> memref<42x128xi32, #tpu.memory_space<hbm>>
    tpu.wait_dma2 semaphore(%arg11 : memref<!tpu.dma_semaphore, #tpu.memory_space<semaphore_mem>>) src(%dma_wait3A_121 : memref<42x128xi32, #tpu.memory_space<hbm>>) dst(%arg6 : memref<42x128xi32, #tpu.memory_space<vmem>>)
    %dma_wait3A_122 = arith.constant 1 : i32
    %dma_wait3A_123 = arith.constant 0 : i32
    %dma_wait3A_124 = arith.constant 0 : i32
    %dma_wait3A_125 = tpu.memref_slice %arg3[%add3A, %dma_wait3A_122, %dma_wait3A_123, %dma_wait3A_124] : memref<32x2x42x128xi32, #tpu.memory_space<hbm>> -> memref<1x1x42x128xi32, #tpu.memory_space<hbm>>
    %dma_wait3A_126 = tpu.memref_squeeze %dma_wait3A_125 : memref<1x1x42x128xi32, #tpu.memory_space<hbm>> -> memref<42x128xi32, #tpu.memory_space<hbm>>
    %dma_wait3A_127 = arith.constant 0 : i32
    %dma_wait3A_128 = arith.constant 0 : i32
    %dma_wait3A_129 = tpu.memref_slice %arg3[%add3A, %dma_wait3A_122, %dma_wait3A_127, %dma_wait3A_128] : memref<32x2x42x128xi32, #tpu.memory_space<hbm>> -> memref<1x1x42x128xi32, #tpu.memory_space<hbm>>
    %dma_wait3A_130 = tpu.memref_squeeze %dma_wait3A_129 : memref<1x1x42x128xi32, #tpu.memory_space<hbm>> -> memref<42x128xi32, #tpu.memory_space<hbm>>
    tpu.wait_dma2 semaphore(%arg11 : memref<!tpu.dma_semaphore, #tpu.memory_space<semaphore_mem>>) src(%dma_wait3A_130 : memref<42x128xi32, #tpu.memory_space<hbm>>) dst(%arg7 : memref<42x128xi32, #tpu.memory_space<vmem>>)
    %dma_start3A_131 = arith.constant 0 : i32
    %dma_start3A_132 = arith.constant 0 : i32
    %dma_start3A_133 = tpu.memref_slice %arg6[%dma_start3A_131, %dma_start3A_132] : memref<42x128xi32, #tpu.memory_space<vmem>> -> memref<1x128xi32, #tpu.memory_space<vmem>>
    %dma_start3A_134 = tpu.memref_squeeze %dma_start3A_133 : memref<1x128xi32, #tpu.memory_space<vmem>> -> memref<128xi32, #tpu.memory_space<vmem>>
    %dma_start3A_135 = arith.constant 0 : i32
    %dma_start3A_136 = arith.constant 0 : i32
    %dma_start3A_137 = tpu.memref_slice %arg4[%dma_start3A_135, %dma_start3A_136] : memref<10000x128xf32, #tpu.memory_space<hbm>> -> memref<10000x128xf32, #tpu.memory_space<hbm>>
    tpu.enqueue_indirect_dma source(%dma_start3A_137 : memref<10000x128xf32, #tpu.memory_space<hbm>>) target(%arg8 : memref<128x128xf32, #tpu.memory_space<vmem>>) offsets(%dma_start3A_134 : memref<128xi32, #tpu.memory_space<vmem>>) semaphore(%arg12 : memref<!tpu.dma_semaphore, #tpu.memory_space<semaphore_mem>>)
    %dma_start3A_138 = arith.constant 1 : i32
    %dma_start3A_139 = arith.constant 0 : i32
    %dma_start3A_140 = tpu.memref_slice %arg6[%dma_start3A_138, %dma_start3A_139] : memref<42x128xi32, #tpu.memory_space<vmem>> -> memref<1x128xi32, #tpu.memory_space<vmem>>
    %dma_start3A_141 = tpu.memref_squeeze %dma_start3A_140 : memref<1x128xi32, #tpu.memory_space<vmem>> -> memref<128xi32, #tpu.memory_space<vmem>>
    %dma_start3A_142 = arith.constant 0 : i32
    %dma_start3A_143 = arith.constant 0 : i32
    %dma_start3A_144 = tpu.memref_slice %arg4[%dma_start3A_142, %dma_start3A_143] : memref<10000x128xf32, #tpu.memory_space<hbm>> -> memref<10000x128xf32, #tpu.memory_space<hbm>>
    tpu.enqueue_indirect_dma source(%dma_start3A_144 : memref<10000x128xf32, #tpu.memory_space<hbm>>) target(%arg9 : memref<128x128xf32, #tpu.memory_space<vmem>>) offsets(%dma_start3A_141 : memref<128xi32, #tpu.memory_space<vmem>>) semaphore(%arg13 : memref<!tpu.dma_semaphore, #tpu.memory_space<semaphore_mem>>)
    %scan3A_145 = arith.constant 0 : i32
    %scan3A_146 = arith.constant 0 : i32
    %scan3A_147 = arith.constant 20 : i32
    %scan3A_148 = arith.addi %scan3A_146, %scan3A_147 : i32
    %scan3A_149 = arith.constant 1 : i32
    scf.for %scan3A_172 = %scan3A_146 to %scan3A_148 step %scan3A_149  : i32 {
      %mul3A_173 = arith.constant 2 : i32
      %mul3A_174 = arith.muli %mul3A_173, %scan3A_172 : i32
      %add3A_175 = arith.constant 0 : i32
      %add3A_176 = arith.addi %mul3A_174, %add3A_175 : i32
      %dma_wait3A_177 = arith.constant 0 : i32
      %dma_wait3A_178 = tpu.memref_slice %arg6[%add3A_176, %dma_wait3A_177] : memref<42x128xi32, #tpu.memory_space<vmem>> -> memref<1x128xi32, #tpu.memory_space<vmem>>
      %dma_wait3A_179 = tpu.memref_squeeze %dma_wait3A_178 : memref<1x128xi32, #tpu.memory_space<vmem>> -> memref<128xi32, #tpu.memory_space<vmem>>
      %dma_wait3A_180 = arith.constant 0 : i32
      %dma_wait3A_181 = arith.constant 0 : i32
      %dma_wait3A_182 = tpu.memref_slice %arg4[%dma_wait3A_180, %dma_wait3A_181] : memref<10000x128xf32, #tpu.memory_space<hbm>> -> memref<10000x128xf32, #tpu.memory_space<hbm>>
      tpu.wait_indirect_dma semaphore(%arg12 : memref<!tpu.dma_semaphore, #tpu.memory_space<semaphore_mem>>) src(%dma_wait3A_182 : memref<10000x128xf32, #tpu.memory_space<hbm>>) dst(%arg8 : memref<128x128xf32, #tpu.memory_space<vmem>>)
      "tpu.region"() ({
        %run_scoped3A_209 = tpu.sem_alloc : memref<!tpu.dma_semaphore, #tpu.memory_space<semaphore_mem>>
        %dma_start3A_210 = arith.constant 0 : i32
        %dma_start3A_211 = tpu.memref_slice %arg7[%add3A_176, %dma_start3A_210] : memref<42x128xi32, #tpu.memory_space<vmem>> -> memref<1x128xi32, #tpu.memory_space<vmem>>
        %dma_start3A_212 = tpu.memref_squeeze %dma_start3A_211 : memref<1x128xi32, #tpu.memory_space<vmem>> -> memref<128xi32, #tpu.memory_space<vmem>>
        %dma_start3A_213 = arith.constant 0 : i32
        %dma_start3A_214 = arith.constant 0 : i32
        %dma_start3A_215 = tpu.memref_slice %arg10[%dma_start3A_213, %dma_start3A_214] : memref<10240x128xf32, #tpu.memory_space<vmem_shared>> -> memref<10240x128xf32, #tpu.memory_space<vmem_shared>>
        tpu.enqueue_indirect_dma source(%arg8 : memref<128x128xf32, #tpu.memory_space<vmem>>) target(%dma_start3A_215 : memref<10240x128xf32, #tpu.memory_space<vmem_shared>>) offsets(%dma_start3A_212 : memref<128xi32, #tpu.memory_space<vmem>>) semaphore(%run_scoped3A_209 : memref<!tpu.dma_semaphore, #tpu.memory_space<semaphore_mem>>) {add = true}
        %dma_wait3A_216 = arith.constant 0 : i32
        %dma_wait3A_217 = tpu.memref_slice %arg7[%add3A_176, %dma_wait3A_216] : memref<42x128xi32, #tpu.memory_space<vmem>> -> memref<1x128xi32, #tpu.memory_space<vmem>>
        %dma_wait3A_218 = tpu.memref_squeeze %dma_wait3A_217 : memref<1x128xi32, #tpu.memory_space<vmem>> -> memref<128xi32, #tpu.memory_space<vmem>>
        %dma_wait3A_219 = arith.constant 0 : i32
        %dma_wait3A_220 = arith.constant 0 : i32
        %dma_wait3A_221 = tpu.memref_slice %arg10[%dma_wait3A_219, %dma_wait3A_220] : memref<10240x128xf32, #tpu.memory_space<vmem_shared>> -> memref<10240x128xf32, #tpu.memory_space<vmem_shared>>
        tpu.wait_indirect_dma semaphore(%run_scoped3A_209 : memref<!tpu.dma_semaphore, #tpu.memory_space<semaphore_mem>>) src(%arg8 : memref<128x128xf32, #tpu.memory_space<vmem>>) dst(%dma_wait3A_221 : memref<10240x128xf32, #tpu.memory_space<vmem_shared>>)
        tpu.yield
      }) : () -> ()
      %add3A_183 = arith.constant 2 : i32
      %add3A_184 = arith.addi %add3A_176, %add3A_183 : i32
      %dma_start3A_185 = arith.constant 0 : i32
      %dma_start3A_186 = tpu.memref_slice %arg6[%add3A_184, %dma_start3A_185] : memref<42x128xi32, #tpu.memory_space<vmem>> -> memref<1x128xi32, #tpu.memory_space<vmem>>
      %dma_start3A_187 = tpu.memref_squeeze %dma_start3A_186 : memref<1x128xi32, #tpu.memory_space<vmem>> -> memref<128xi32, #tpu.memory_space<vmem>>
      %dma_start3A_188 = arith.constant 0 : i32
      %dma_start3A_189 = arith.constant 0 : i32
      %dma_start3A_190 = tpu.memref_slice %arg4[%dma_start3A_188, %dma_start3A_189] : memref<10000x128xf32, #tpu.memory_space<hbm>> -> memref<10000x128xf32, #tpu.memory_space<hbm>>
      tpu.enqueue_indirect_dma source(%dma_start3A_190 : memref<10000x128xf32, #tpu.memory_space<hbm>>) target(%arg8 : memref<128x128xf32, #tpu.memory_space<vmem>>) offsets(%dma_start3A_187 : memref<128xi32, #tpu.memory_space<vmem>>) semaphore(%arg12 : memref<!tpu.dma_semaphore, #tpu.memory_space<semaphore_mem>>)
      %mul3A_191 = arith.constant 2 : i32
      %mul3A_192 = arith.muli %mul3A_191, %scan3A_172 : i32
      %add3A_193 = arith.constant 1 : i32
      %add3A_194 = arith.addi %mul3A_192, %add3A_193 : i32
      %dma_wait3A_195 = arith.constant 0 : i32
      %dma_wait3A_196 = tpu.memref_slice %arg6[%add3A_194, %dma_wait3A_195] : memref<42x128xi32, #tpu.memory_space<vmem>> -> memref<1x128xi32, #tpu.memory_space<vmem>>
      %dma_wait3A_197 = tpu.memref_squeeze %dma_wait3A_196 : memref<1x128xi32, #tpu.memory_space<vmem>> -> memref<128xi32, #tpu.memory_space<vmem>>
      %dma_wait3A_198 = arith.constant 0 : i32
      %dma_wait3A_199 = arith.constant 0 : i32
      %dma_wait3A_200 = tpu.memref_slice %arg4[%dma_wait3A_198, %dma_wait3A_199] : memref<10000x128xf32, #tpu.memory_space<hbm>> -> memref<10000x128xf32, #tpu.memory_space<hbm>>
      tpu.wait_indirect_dma semaphore(%arg13 : memref<!tpu.dma_semaphore, #tpu.memory_space<semaphore_mem>>) src(%dma_wait3A_200 : memref<10000x128xf32, #tpu.memory_space<hbm>>) dst(%arg9 : memref<128x128xf32, #tpu.memory_space<vmem>>)
      "tpu.region"() ({
        %run_scoped3A_209 = tpu.sem_alloc : memref<!tpu.dma_semaphore, #tpu.memory_space<semaphore_mem>>
        %dma_start3A_210 = arith.constant 0 : i32
        %dma_start3A_211 = tpu.memref_slice %arg7[%add3A_194, %dma_start3A_210] : memref<42x128xi32, #tpu.memory_space<vmem>> -> memref<1x128xi32, #tpu.memory_space<vmem>>
        %dma_start3A_212 = tpu.memref_squeeze %dma_start3A_211 : memref<1x128xi32, #tpu.memory_space<vmem>> -> memref<128xi32, #tpu.memory_space<vmem>>
        %dma_start3A_213 = arith.constant 0 : i32
        %dma_start3A_214 = arith.constant 0 : i32
        %dma_start3A_215 = tpu.memref_slice %arg10[%dma_start3A_213, %dma_start3A_214] : memref<10240x128xf32, #tpu.memory_space<vmem_shared>> -> memref<10240x128xf32, #tpu.memory_space<vmem_shared>>
        tpu.enqueue_indirect_dma source(%arg9 : memref<128x128xf32, #tpu.memory_space<vmem>>) target(%dma_start3A_215 : memref<10240x128xf32, #tpu.memory_space<vmem_shared>>) offsets(%dma_start3A_212 : memref<128xi32, #tpu.memory_space<vmem>>) semaphore(%run_scoped3A_209 : memref<!tpu.dma_semaphore, #tpu.memory_space<semaphore_mem>>) {add = true}
        %dma_wait3A_216 = arith.constant 0 : i32
        %dma_wait3A_217 = tpu.memref_slice %arg7[%add3A_194, %dma_wait3A_216] : memref<42x128xi32, #tpu.memory_space<vmem>> -> memref<1x128xi32, #tpu.memory_space<vmem>>
        %dma_wait3A_218 = tpu.memref_squeeze %dma_wait3A_217 : memref<1x128xi32, #tpu.memory_space<vmem>> -> memref<128xi32, #tpu.memory_space<vmem>>
        %dma_wait3A_219 = arith.constant 0 : i32
        %dma_wait3A_220 = arith.constant 0 : i32
        %dma_wait3A_221 = tpu.memref_slice %arg10[%dma_wait3A_219, %dma_wait3A_220] : memref<10240x128xf32, #tpu.memory_space<vmem_shared>> -> memref<10240x128xf32, #tpu.memory_space<vmem_shared>>
        tpu.wait_indirect_dma semaphore(%run_scoped3A_209 : memref<!tpu.dma_semaphore, #tpu.memory_space<semaphore_mem>>) src(%arg9 : memref<128x128xf32, #tpu.memory_space<vmem>>) dst(%dma_wait3A_221 : memref<10240x128xf32, #tpu.memory_space<vmem_shared>>)
        tpu.yield
      }) : () -> ()
      %add3A_201 = arith.constant 2 : i32
      %add3A_202 = arith.addi %add3A_194, %add3A_201 : i32
      %dma_start3A_203 = arith.constant 0 : i32
      %dma_start3A_204 = tpu.memref_slice %arg6[%add3A_202, %dma_start3A_203] : memref<42x128xi32, #tpu.memory_space<vmem>> -> memref<1x128xi32, #tpu.memory_space<vmem>>
      %dma_start3A_205 = tpu.memref_squeeze %dma_start3A_204 : memref<1x128xi32, #tpu.memory_space<vmem>> -> memref<128xi32, #tpu.memory_space<vmem>>
      %dma_start3A_206 = arith.constant 0 : i32
      %dma_start3A_207 = arith.constant 0 : i32
      %dma_start3A_208 = tpu.memref_slice %arg4[%dma_start3A_206, %dma_start3A_207] : memref<10000x128xf32, #tpu.memory_space<hbm>> -> memref<10000x128xf32, #tpu.memory_space<hbm>>
      tpu.enqueue_indirect_dma source(%dma_start3A_208 : memref<10000x128xf32, #tpu.memory_space<hbm>>) target(%arg9 : memref<128x128xf32, #tpu.memory_space<vmem>>) offsets(%dma_start3A_205 : memref<128xi32, #tpu.memory_space<vmem>>) semaphore(%arg13 : memref<!tpu.dma_semaphore, #tpu.memory_space<semaphore_mem>>)
    }
    %scan3A_150 = arith.constant 20 : i32
    %dma_wait3A_151 = arith.constant 40 : i32
    %dma_wait3A_152 = arith.constant 0 : i32
    %dma_wait3A_153 = tpu.memref_slice %arg6[%dma_wait3A_151, %dma_wait3A_152] : memref<42x128xi32, #tpu.memory_space<vmem>> -> memref<1x128xi32, #tpu.memory_space<vmem>>
    %dma_wait3A_154 = tpu.memref_squeeze %dma_wait3A_153 : memref<1x128xi32, #tpu.memory_space<vmem>> -> memref<128xi32, #tpu.memory_space<vmem>>
    %dma_wait3A_155 = arith.constant 0 : i32
    %dma_wait3A_156 = arith.constant 0 : i32
    %dma_wait3A_157 = tpu.memref_slice %arg4[%dma_wait3A_155, %dma_wait3A_156] : memref<10000x128xf32, #tpu.memory_space<hbm>> -> memref<10000x128xf32, #tpu.memory_space<hbm>>
    tpu.wait_indirect_dma semaphore(%arg12 : memref<!tpu.dma_semaphore, #tpu.memory_space<semaphore_mem>>) src(%dma_wait3A_157 : memref<10000x128xf32, #tpu.memory_space<hbm>>) dst(%arg8 : memref<128x128xf32, #tpu.memory_space<vmem>>)
    %run_scoped3A_158 = arith.constant 40 : i32
    "tpu.region"() ({
      %run_scoped3A_172 = tpu.sem_alloc : memref<!tpu.dma_semaphore, #tpu.memory_space<semaphore_mem>>
      %dma_start3A_173 = arith.constant 0 : i32
      %dma_start3A_174 = tpu.memref_slice %arg7[%run_scoped3A_158, %dma_start3A_173] : memref<42x128xi32, #tpu.memory_space<vmem>> -> memref<1x128xi32, #tpu.memory_space<vmem>>
      %dma_start3A_175 = tpu.memref_squeeze %dma_start3A_174 : memref<1x128xi32, #tpu.memory_space<vmem>> -> memref<128xi32, #tpu.memory_space<vmem>>
      %dma_start3A_176 = arith.constant 0 : i32
      %dma_start3A_177 = arith.constant 0 : i32
      %dma_start3A_178 = tpu.memref_slice %arg10[%dma_start3A_176, %dma_start3A_177] : memref<10240x128xf32, #tpu.memory_space<vmem_shared>> -> memref<10240x128xf32, #tpu.memory_space<vmem_shared>>
      tpu.enqueue_indirect_dma source(%arg8 : memref<128x128xf32, #tpu.memory_space<vmem>>) target(%dma_start3A_178 : memref<10240x128xf32, #tpu.memory_space<vmem_shared>>) offsets(%dma_start3A_175 : memref<128xi32, #tpu.memory_space<vmem>>) semaphore(%run_scoped3A_172 : memref<!tpu.dma_semaphore, #tpu.memory_space<semaphore_mem>>) {add = true}
      %dma_wait3A_179 = arith.constant 0 : i32
      %dma_wait3A_180 = tpu.memref_slice %arg7[%run_scoped3A_158, %dma_wait3A_179] : memref<42x128xi32, #tpu.memory_space<vmem>> -> memref<1x128xi32, #tpu.memory_space<vmem>>
      %dma_wait3A_181 = tpu.memref_squeeze %dma_wait3A_180 : memref<1x128xi32, #tpu.memory_space<vmem>> -> memref<128xi32, #tpu.memory_space<vmem>>
      %dma_wait3A_182 = arith.constant 0 : i32
      %dma_wait3A_183 = arith.constant 0 : i32
      %dma_wait3A_184 = tpu.memref_slice %arg10[%dma_wait3A_182, %dma_wait3A_183] : memref<10240x128xf32, #tpu.memory_space<vmem_shared>> -> memref<10240x128xf32, #tpu.memory_space<vmem_shared>>
      tpu.wait_indirect_dma semaphore(%run_scoped3A_172 : memref<!tpu.dma_semaphore, #tpu.memory_space<semaphore_mem>>) src(%arg8 : memref<128x128xf32, #tpu.memory_space<vmem>>) dst(%dma_wait3A_184 : memref<10240x128xf32, #tpu.memory_space<vmem_shared>>)
      tpu.yield
    }) : () -> ()
    %dma_wait3A_159 = arith.constant 41 : i32
    %dma_wait3A_160 = arith.constant 0 : i32
    %dma_wait3A_161 = tpu.memref_slice %arg6[%dma_wait3A_159, %dma_wait3A_160] : memref<42x128xi32, #tpu.memory_space<vmem>> -> memref<1x128xi32, #tpu.memory_space<vmem>>
    %dma_wait3A_162 = tpu.memref_squeeze %dma_wait3A_161 : memref<1x128xi32, #tpu.memory_space<vmem>> -> memref<128xi32, #tpu.memory_space<vmem>>
    %dma_wait3A_163 = arith.constant 0 : i32
    %dma_wait3A_164 = arith.constant 0 : i32
    %dma_wait3A_165 = tpu.memref_slice %arg4[%dma_wait3A_163, %dma_wait3A_164] : memref<10000x128xf32, #tpu.memory_space<hbm>> -> memref<10000x128xf32, #tpu.memory_space<hbm>>
    tpu.wait_indirect_dma semaphore(%arg13 : memref<!tpu.dma_semaphore, #tpu.memory_space<semaphore_mem>>) src(%dma_wait3A_165 : memref<10000x128xf32, #tpu.memory_space<hbm>>) dst(%arg9 : memref<128x128xf32, #tpu.memory_space<vmem>>)
    %run_scoped3A_166 = arith.constant 41 : i32
    "tpu.region"() ({
      %run_scoped3A_172 = tpu.sem_alloc : memref<!tpu.dma_semaphore, #tpu.memory_space<semaphore_mem>>
      %dma_start3A_173 = arith.constant 0 : i32
      %dma_start3A_174 = tpu.memref_slice %arg7[%run_scoped3A_166, %dma_start3A_173] : memref<42x128xi32, #tpu.memory_space<vmem>> -> memref<1x128xi32, #tpu.memory_space<vmem>>
      %dma_start3A_175 = tpu.memref_squeeze %dma_start3A_174 : memref<1x128xi32, #tpu.memory_space<vmem>> -> memref<128xi32, #tpu.memory_space<vmem>>
      %dma_start3A_176 = arith.constant 0 : i32
      %dma_start3A_177 = arith.constant 0 : i32
      %dma_start3A_178 = tpu.memref_slice %arg10[%dma_start3A_176, %dma_start3A_177] : memref<10240x128xf32, #tpu.memory_space<vmem_shared>> -> memref<10240x128xf32, #tpu.memory_space<vmem_shared>>
      tpu.enqueue_indirect_dma source(%arg9 : memref<128x128xf32, #tpu.memory_space<vmem>>) target(%dma_start3A_178 : memref<10240x128xf32, #tpu.memory_space<vmem_shared>>) offsets(%dma_start3A_175 : memref<128xi32, #tpu.memory_space<vmem>>) semaphore(%run_scoped3A_172 : memref<!tpu.dma_semaphore, #tpu.memory_space<semaphore_mem>>) {add = true}
      %dma_wait3A_179 = arith.constant 0 : i32
      %dma_wait3A_180 = tpu.memref_slice %arg7[%run_scoped3A_166, %dma_wait3A_179] : memref<42x128xi32, #tpu.memory_space<vmem>> -> memref<1x128xi32, #tpu.memory_space<vmem>>
      %dma_wait3A_181 = tpu.memref_squeeze %dma_wait3A_180 : memref<1x128xi32, #tpu.memory_space<vmem>> -> memref<128xi32, #tpu.memory_space<vmem>>
      %dma_wait3A_182 = arith.constant 0 : i32
      %dma_wait3A_183 = arith.constant 0 : i32
      %dma_wait3A_184 = tpu.memref_slice %arg10[%dma_wait3A_182, %dma_wait3A_183] : memref<10240x128xf32, #tpu.memory_space<vmem_shared>> -> memref<10240x128xf32, #tpu.memory_space<vmem_shared>>
      tpu.wait_indirect_dma semaphore(%run_scoped3A_172 : memref<!tpu.dma_semaphore, #tpu.memory_space<semaphore_mem>>) src(%arg9 : memref<128x128xf32, #tpu.memory_space<vmem>>) dst(%dma_wait3A_184 : memref<10240x128xf32, #tpu.memory_space<vmem_shared>>)
      tpu.yield
    }) : () -> ()
    %barrier3A_167 = arith.constant 0 : index
    tpu.barrier barrier_id(%barrier3A_167)
    %mul3A_168 = arith.constant 640 : i32
    %mul3A_169 = arith.muli %arg1, %mul3A_168 : i32
    %mul3A_170 = arith.constant 640 : i32
    %mul3A_171 = arith.muli %arg1, %mul3A_170 : i32
    "tpu.region"() ({
      %run_scoped3A_172 = tpu.sem_alloc : memref<!tpu.dma_semaphore, #tpu.memory_space<semaphore_mem>>
      %dma_start3A_173 = arith.constant 0 : i32
      %dma_start3A_174 = tpu.memref_slice %arg5[%arg0, %mul3A_171, %dma_start3A_173] : memref<2x10240x128xf32, #tpu.memory_space<hbm>> -> memref<1x640x128xf32, #tpu.memory_space<hbm>>
      %dma_start3A_175 = tpu.memref_squeeze %dma_start3A_174 : memref<1x640x128xf32, #tpu.memory_space<hbm>> -> memref<640x128xf32, #tpu.memory_space<hbm>>
      %dma_start3A_176 = arith.constant 0 : i32
      %dma_start3A_177 = tpu.memref_slice %arg10[%mul3A_169, %dma_start3A_176] : memref<10240x128xf32, #tpu.memory_space<vmem_shared>> -> memref<640x128xf32, #tpu.memory_space<vmem_shared>>
      tpu.enqueue_dma source(%dma_start3A_177 : memref<640x128xf32, #tpu.memory_space<vmem_shared>>) target(%dma_start3A_175 : memref<640x128xf32, #tpu.memory_space<hbm>>) target_semaphore(%run_scoped3A_172 : memref<!tpu.dma_semaphore, #tpu.memory_space<semaphore_mem>>)
      %dma_wait3A_178 = arith.constant 0 : i32
      %dma_wait3A_179 = tpu.memref_slice %arg5[%arg0, %mul3A_171, %dma_wait3A_178] : memref<2x10240x128xf32, #tpu.memory_space<hbm>> -> memref<1x640x128xf32, #tpu.memory_space<hbm>>
      %dma_wait3A_180 = tpu.memref_squeeze %dma_wait3A_179 : memref<1x640x128xf32, #tpu.memory_space<hbm>> -> memref<640x128xf32, #tpu.memory_space<hbm>>
      %dma_wait3A_181 = arith.constant 0 : i32
      %dma_wait3A_182 = tpu.memref_slice %arg10[%mul3A_169, %dma_wait3A_181] : memref<10240x128xf32, #tpu.memory_space<vmem_shared>> -> memref<640x128xf32, #tpu.memory_space<vmem_shared>>
      tpu.wait_dma2 semaphore(%run_scoped3A_172 : memref<!tpu.dma_semaphore, #tpu.memory_space<semaphore_mem>>) src(%dma_wait3A_182 : memref<640x128xf32, #tpu.memory_space<vmem_shared>>) dst(%dma_wait3A_180 : memref<640x128xf32, #tpu.memory_space<hbm>>)
      tpu.yield
    }) : () -> ()
    return
  }
}

module attributes {stable_mosaic.version = 14 : i64} {
  func.func @_tc_scale_body(%arg0: i32, %arg1: memref<400x128xf32, #tpu.memory_space<vmem>>, %arg2: memref<2x400x1xf32, #tpu.memory_space<vmem>>, %arg3: memref<400x128xf32, #tpu.memory_space<vmem>>) attributes {dimension_semantics = [#tpu.dimension_semantics<arbitrary>], iteration_bounds = array<i64: 25>, scalar_prefetch = 0 : i64, scratch_operands = 0 : i64, tpu.core_type = #tpu.core_type<tc>, window_params = [{transform_indices = @transform_0, window_bounds = array<i64: 400, 128>}, {transform_indices = @transform_1, window_bounds = array<i64: 2, 400, 1>}, {transform_indices = @transform_2, window_bounds = array<i64: 400, 128>}]} {
    %get3A = arith.constant 0 : index
    %get3A_0 = arith.constant 0 : index
    %get3A_1 = arith.constant 0 : index
    %get3A_2 = vector.load %arg2[%get3A, %get3A_0, %get3A_1] : memref<2x400x1xf32, #tpu.memory_space<vmem>>, vector<1x400x1xf32>
    %get3A_3 = vector.shape_cast %get3A_2 : vector<1x400x1xf32> to vector<400x1xf32>
    %get3A_4 = arith.constant 1 : index
    %get3A_5 = arith.constant 0 : index
    %get3A_6 = arith.constant 0 : index
    %get3A_7 = vector.load %arg2[%get3A_4, %get3A_5, %get3A_6] : memref<2x400x1xf32, #tpu.memory_space<vmem>>, vector<1x400x1xf32>
    %get3A_8 = vector.shape_cast %get3A_7 : vector<1x400x1xf32> to vector<400x1xf32>
    %add3A = arith.addf %get3A_3, %get3A_8 : vector<400x1xf32>
    %max3A = arith.constant 1.000000e+00 : f32
    %max3A_9 = vector.broadcast %max3A : f32 to vector<400x1xf32>
    %max3A_10 = arith.maximumf %add3A, %max3A_9 : vector<400x1xf32>
    %rsqrt3A = math.rsqrt %max3A_10 : vector<400x1xf32>
    %get3A_11 = arith.constant 0 : index
    %get3A_12 = arith.constant 0 : index
    %get3A_13 = vector.load %arg1[%get3A_11, %get3A_12] : memref<400x128xf32, #tpu.memory_space<vmem>>, vector<400x128xf32>
    %mul3A = vector.broadcast %rsqrt3A : vector<400x1xf32> to vector<400x128xf32>
    %mul3A_14 = arith.mulf %get3A_13, %mul3A : vector<400x128xf32>
    %swap3A = arith.constant 0 : index
    %swap3A_15 = arith.constant 0 : index
    %swap3A_16 = vector.load %arg3[%swap3A, %swap3A_15] : memref<400x128xf32, #tpu.memory_space<vmem>>, vector<400x128xf32>
    tpu.vector_store %arg3[%swap3A, %swap3A_15], %mul3A_14 {strides = array<i32>} : memref<400x128xf32, #tpu.memory_space<vmem>>, vector<400x128xf32>,
    return
  }
  func.func @transform_0(%arg0: i32) -> (i32, i32) {
    %c0_i32 = arith.constant 0 : i32
    %c0_i32_0 = arith.constant 0 : i32
    return %arg0, %c0_i32 : i32, i32
  }
  func.func @transform_1(%arg0: i32) -> (i32, i32, i32) {
    %c0_i32 = arith.constant 0 : i32
    %c0_i32_0 = arith.constant 0 : i32
    %c0_i32_1 = arith.constant 0 : i32
    return %c0_i32, %arg0, %c0_i32_0 : i32, i32, i32
  }
  func.func @transform_2(%arg0: i32) -> (i32, i32) {
    %c0_i32 = arith.constant 0 : i32
    %c0_i32_0 = arith.constant 0 : i32
    return %arg0, %c0_i32 : i32, i32
  }
}

module attributes {stable_mosaic.version = 14 : i64} {
  func.func @_tc_kan_layer_body(%arg0: i32, %arg1: memref<400x128xf32, #tpu.memory_space<vmem>>, %arg2: memref<128x128xf32, #tpu.memory_space<vmem>>, %arg3: memref<8x128x128xf32, #tpu.memory_space<vmem>>, %arg4: memref<400x128xf32, #tpu.memory_space<vmem>>) attributes {dimension_semantics = [#tpu.dimension_semantics<arbitrary>], iteration_bounds = array<i64: 25>, scalar_prefetch = 0 : i64, scratch_operands = 0 : i64, tpu.core_type = #tpu.core_type<tc>, window_params = [{transform_indices = @transform_0, window_bounds = array<i64: 400, 128>}, {pipeline_mode = #tpu.pipeline_mode<synchronous>, transform_indices = @transform_1, window_bounds = array<i64: 128, 128>}, {pipeline_mode = #tpu.pipeline_mode<synchronous>, transform_indices = @transform_2, window_bounds = array<i64: 8, 128, 128>}, {transform_indices = @transform_3, window_bounds = array<i64: 400, 128>}]} {
    %get3A = arith.constant 0 : index
    %get3A_0 = arith.constant 0 : index
    %get3A_1 = vector.load %arg1[%get3A, %get3A_0] : memref<400x128xf32, #tpu.memory_space<vmem>>, vector<400x128xf32>
    %logistic3A = arith.negf %get3A_1 : vector<400x128xf32>
    %logistic3A_2 = math.exp %logistic3A : vector<400x128xf32>
    %logistic3A_3 = arith.constant 1.000000e+00 : f32
    %logistic3A_4 = vector.broadcast %logistic3A_3 : f32 to vector<400x128xf32>
    %logistic3A_5 = arith.addf %logistic3A_4, %logistic3A_2 : vector<400x128xf32>
    %logistic3A_6 = arith.divf %logistic3A_4, %logistic3A_5 : vector<400x128xf32>
    %mul3A = arith.mulf %get3A_1, %logistic3A_6 : vector<400x128xf32>
    %get3A_7 = arith.constant 0 : index
    %get3A_8 = arith.constant 0 : index
    %get3A_9 = vector.load %arg2[%get3A_7, %get3A_8] : memref<128x128xf32, #tpu.memory_space<vmem>>, vector<128x128xf32>
    %dot_general3A = arith.constant dense<0.000000e+00> : vector<400x128xf32>
    %dot_general3A_10 = tpu.matmul %mul3A, %get3A_9, %dot_general3A {dimension_numbers = #tpu.dot_dimension_numbers<[1], [0], [0], [1], [0, 0, 1, 1], [], []>, transpose_lhs_hint = false} : vector<400x128xf32>, vector<128x128xf32>, vector<400x128xf32> -> vector<400x128xf32>
    %sub3A = arith.constant -2.200000e+00 : f32
    %sub3A_11 = vector.broadcast %sub3A : f32 to vector<400x128xf32>
    %sub3A_12 = arith.subf %get3A_1, %sub3A_11 : vector<400x128xf32>
    %mul3A_13 = arith.constant 2.500000e+00 : f32
    %mul3A_14 = vector.broadcast %mul3A_13 : f32 to vector<400x128xf32>
    %mul3A_15 = arith.mulf %sub3A_12, %mul3A_14 : vector<400x128xf32>
    %floor3A = math.floor %mul3A_15 : vector<400x128xf32>
    %sub3A_16 = arith.subf %mul3A_15, %floor3A : vector<400x128xf32>
    %convert_element_type3A = arith.fptosi %floor3A : vector<400x128xf32> to vector<400x128xi32>
    %mul3A_17 = arith.mulf %sub3A_16, %sub3A_16 : vector<400x128xf32>
    %mul3A_18 = arith.mulf %mul3A_17, %sub3A_16 : vector<400x128xf32>
    %mul3A_19 = arith.constant 0.166666672 : f32
    %mul3A_20 = vector.broadcast %mul3A_19 : f32 to vector<400x128xf32>
    %mul3A_21 = arith.mulf %mul3A_18, %mul3A_20 : vector<400x128xf32>
    %mul3A_22 = arith.constant -3.000000e+00 : f32
    %mul3A_23 = vector.broadcast %mul3A_22 : f32 to vector<400x128xf32>
    %mul3A_24 = arith.mulf %mul3A_23, %mul3A_18 : vector<400x128xf32>
    %mul3A_25 = arith.constant 3.000000e+00 : f32
    %mul3A_26 = vector.broadcast %mul3A_25 : f32 to vector<400x128xf32>
    %mul3A_27 = arith.mulf %mul3A_26, %mul3A_17 : vector<400x128xf32>
    %add3A = arith.addf %mul3A_24, %mul3A_27 : vector<400x128xf32>
    %mul3A_28 = arith.constant 3.000000e+00 : f32
    %mul3A_29 = vector.broadcast %mul3A_28 : f32 to vector<400x128xf32>
    %mul3A_30 = arith.mulf %mul3A_29, %sub3A_16 : vector<400x128xf32>
    %add3A_31 = arith.addf %add3A, %mul3A_30 : vector<400x128xf32>
    %add3A_32 = arith.constant 1.000000e+00 : f32
    %add3A_33 = vector.broadcast %add3A_32 : f32 to vector<400x128xf32>
    %add3A_34 = arith.addf %add3A_31, %add3A_33 : vector<400x128xf32>
    %mul3A_35 = arith.constant 0.166666672 : f32
    %mul3A_36 = vector.broadcast %mul3A_35 : f32 to vector<400x128xf32>
    %mul3A_37 = arith.mulf %add3A_34, %mul3A_36 : vector<400x128xf32>
    %mul3A_38 = arith.constant 3.000000e+00 : f32
    %mul3A_39 = vector.broadcast %mul3A_38 : f32 to vector<400x128xf32>
    %mul3A_40 = arith.mulf %mul3A_39, %mul3A_18 : vector<400x128xf32>
    %mul3A_41 = arith.constant 6.000000e+00 : f32
    %mul3A_42 = vector.broadcast %mul3A_41 : f32 to vector<400x128xf32>
    %mul3A_43 = arith.mulf %mul3A_42, %mul3A_17 : vector<400x128xf32>
    %sub3A_44 = arith.subf %mul3A_40, %mul3A_43 : vector<400x128xf32>
    %add3A_45 = arith.constant 4.000000e+00 : f32
    %add3A_46 = vector.broadcast %add3A_45 : f32 to vector<400x128xf32>
    %add3A_47 = arith.addf %sub3A_44, %add3A_46 : vector<400x128xf32>
    %mul3A_48 = arith.constant 0.166666672 : f32
    %mul3A_49 = vector.broadcast %mul3A_48 : f32 to vector<400x128xf32>
    %mul3A_50 = arith.mulf %add3A_47, %mul3A_49 : vector<400x128xf32>
    %sub3A_51 = arith.constant 1.000000e+00 : f32
    %sub3A_52 = vector.broadcast %sub3A_51 : f32 to vector<400x128xf32>
    %sub3A_53 = arith.subf %sub3A_52, %sub3A_16 : vector<400x128xf32>
    %mul3A_54 = arith.mulf %sub3A_53, %sub3A_53 : vector<400x128xf32>
    %mul3A_55 = arith.mulf %mul3A_54, %sub3A_53 : vector<400x128xf32>
    %mul3A_56 = arith.constant 0.166666672 : f32
    %mul3A_57 = vector.broadcast %mul3A_56 : f32 to vector<400x128xf32>
    %mul3A_58 = arith.mulf %mul3A_55, %mul3A_57 : vector<400x128xf32>
    %broadcast_in_dim3A = arith.constant 0.000000e+00 : f32
    %broadcast_in_dim3A_59 = vector.broadcast %broadcast_in_dim3A : f32 to vector<400x128xf32>
    %eq3A = arith.constant 0 : i32
    %eq3A_60 = vector.broadcast %eq3A : i32 to vector<400x128xi32>
    %eq3A_61 = arith.cmpi eq, %convert_element_type3A, %eq3A_60 : vector<400x128xi32>
    %select_n3A = arith.select %eq3A_61, %mul3A_21, %broadcast_in_dim3A_59 : vector<400x128xi1>, vector<400x128xf32>
    %eq3A_62 = arith.constant 1 : i32
    %eq3A_63 = vector.broadcast %eq3A_62 : i32 to vector<400x128xi32>
    %eq3A_64 = arith.cmpi eq, %convert_element_type3A, %eq3A_63 : vector<400x128xi32>
    %select_n3A_65 = arith.select %eq3A_64, %mul3A_37, %select_n3A : vector<400x128xi1>, vector<400x128xf32>
    %eq3A_66 = arith.constant 2 : i32
    %eq3A_67 = vector.broadcast %eq3A_66 : i32 to vector<400x128xi32>
    %eq3A_68 = arith.cmpi eq, %convert_element_type3A, %eq3A_67 : vector<400x128xi32>
    %select_n3A_69 = arith.select %eq3A_68, %mul3A_50, %select_n3A_65 : vector<400x128xi1>, vector<400x128xf32>
    %eq3A_70 = arith.constant 3 : i32
    %eq3A_71 = vector.broadcast %eq3A_70 : i32 to vector<400x128xi32>
    %eq3A_72 = arith.cmpi eq, %convert_element_type3A, %eq3A_71 : vector<400x128xi32>
    %select_n3A_73 = arith.select %eq3A_72, %mul3A_58, %select_n3A_69 : vector<400x128xi1>, vector<400x128xf32>
    %eq3A_74 = arith.constant 1 : i32
    %eq3A_75 = vector.broadcast %eq3A_74 : i32 to vector<400x128xi32>
    %eq3A_76 = arith.cmpi eq, %convert_element_type3A, %eq3A_75 : vector<400x128xi32>
    %select_n3A_77 = arith.select %eq3A_76, %mul3A_21, %broadcast_in_dim3A_59 : vector<400x128xi1>, vector<400x128xf32>
    %eq3A_78 = arith.constant 2 : i32
    %eq3A_79 = vector.broadcast %eq3A_78 : i32 to vector<400x128xi32>
    %eq3A_80 = arith.cmpi eq, %convert_element_type3A, %eq3A_79 : vector<400x128xi32>
    %select_n3A_81 = arith.select %eq3A_80, %mul3A_37, %select_n3A_77 : vector<400x128xi1>, vector<400x128xf32>
    %eq3A_82 = arith.constant 3 : i32
    %eq3A_83 = vector.broadcast %eq3A_82 : i32 to vector<400x128xi32>
    %eq3A_84 = arith.cmpi eq, %convert_element_type3A, %eq3A_83 : vector<400x128xi32>
    %select_n3A_85 = arith.select %eq3A_84, %mul3A_50, %select_n3A_81 : vector<400x128xi1>, vector<400x128xf32>
    %eq3A_86 = arith.constant 4 : i32
    %eq3A_87 = vector.broadcast %eq3A_86 : i32 to vector<400x128xi32>
    %eq3A_88 = arith.cmpi eq, %convert_element_type3A, %eq3A_87 : vector<400x128xi32>
    %select_n3A_89 = arith.select %eq3A_88, %mul3A_58, %select_n3A_85 : vector<400x128xi1>, vector<400x128xf32>
    %eq3A_90 = arith.constant 2 : i32
    %eq3A_91 = vector.broadcast %eq3A_90 : i32 to vector<400x128xi32>
    %eq3A_92 = arith.cmpi eq, %convert_element_type3A, %eq3A_91 : vector<400x128xi32>
    %select_n3A_93 = arith.select %eq3A_92, %mul3A_21, %broadcast_in_dim3A_59 : vector<400x128xi1>, vector<400x128xf32>
    %eq3A_94 = arith.constant 3 : i32
    %eq3A_95 = vector.broadcast %eq3A_94 : i32 to vector<400x128xi32>
    %eq3A_96 = arith.cmpi eq, %convert_element_type3A, %eq3A_95 : vector<400x128xi32>
    %select_n3A_97 = arith.select %eq3A_96, %mul3A_37, %select_n3A_93 : vector<400x128xi1>, vector<400x128xf32>
    %eq3A_98 = arith.constant 4 : i32
    %eq3A_99 = vector.broadcast %eq3A_98 : i32 to vector<400x128xi32>
    %eq3A_100 = arith.cmpi eq, %convert_element_type3A, %eq3A_99 : vector<400x128xi32>
    %select_n3A_101 = arith.select %eq3A_100, %mul3A_50, %select_n3A_97 : vector<400x128xi1>, vector<400x128xf32>
    %eq3A_102 = arith.constant 5 : i32
    %eq3A_103 = vector.broadcast %eq3A_102 : i32 to vector<400x128xi32>
    %eq3A_104 = arith.cmpi eq, %convert_element_type3A, %eq3A_103 : vector<400x128xi32>
    %select_n3A_105 = arith.select %eq3A_104, %mul3A_58, %select_n3A_101 : vector<400x128xi1>, vector<400x128xf32>
    %eq3A_106 = arith.constant 3 : i32
    %eq3A_107 = vector.broadcast %eq3A_106 : i32 to vector<400x128xi32>
    %eq3A_108 = arith.cmpi eq, %convert_element_type3A, %eq3A_107 : vector<400x128xi32>
    %select_n3A_109 = arith.select %eq3A_108, %mul3A_21, %broadcast_in_dim3A_59 : vector<400x128xi1>, vector<400x128xf32>
    %eq3A_110 = arith.constant 4 : i32
    %eq3A_111 = vector.broadcast %eq3A_110 : i32 to vector<400x128xi32>
    %eq3A_112 = arith.cmpi eq, %convert_element_type3A, %eq3A_111 : vector<400x128xi32>
    %select_n3A_113 = arith.select %eq3A_112, %mul3A_37, %select_n3A_109 : vector<400x128xi1>, vector<400x128xf32>
    %eq3A_114 = arith.constant 5 : i32
    %eq3A_115 = vector.broadcast %eq3A_114 : i32 to vector<400x128xi32>
    %eq3A_116 = arith.cmpi eq, %convert_element_type3A, %eq3A_115 : vector<400x128xi32>
    %select_n3A_117 = arith.select %eq3A_116, %mul3A_50, %select_n3A_113 : vector<400x128xi1>, vector<400x128xf32>
    %eq3A_118 = arith.constant 6 : i32
    %eq3A_119 = vector.broadcast %eq3A_118 : i32 to vector<400x128xi32>
    %eq3A_120 = arith.cmpi eq, %convert_element_type3A, %eq3A_119 : vector<400x128xi32>
    %select_n3A_121 = arith.select %eq3A_120, %mul3A_58, %select_n3A_117 : vector<400x128xi1>, vector<400x128xf32>
    %eq3A_122 = arith.constant 4 : i32
    %eq3A_123 = vector.broadcast %eq3A_122 : i32 to vector<400x128xi32>
    %eq3A_124 = arith.cmpi eq, %convert_element_type3A, %eq3A_123 : vector<400x128xi32>
    %select_n3A_125 = arith.select %eq3A_124, %mul3A_21, %broadcast_in_dim3A_59 : vector<400x128xi1>, vector<400x128xf32>
    %eq3A_126 = arith.constant 5 : i32
    %eq3A_127 = vector.broadcast %eq3A_126 : i32 to vector<400x128xi32>
    %eq3A_128 = arith.cmpi eq, %convert_element_type3A, %eq3A_127 : vector<400x128xi32>
    %select_n3A_129 = arith.select %eq3A_128, %mul3A_37, %select_n3A_125 : vector<400x128xi1>, vector<400x128xf32>
    %eq3A_130 = arith.constant 6 : i32
    %eq3A_131 = vector.broadcast %eq3A_130 : i32 to vector<400x128xi32>
    %eq3A_132 = arith.cmpi eq, %convert_element_type3A, %eq3A_131 : vector<400x128xi32>
    %select_n3A_133 = arith.select %eq3A_132, %mul3A_50, %select_n3A_129 : vector<400x128xi1>, vector<400x128xf32>
    %eq3A_134 = arith.constant 7 : i32
    %eq3A_135 = vector.broadcast %eq3A_134 : i32 to vector<400x128xi32>
    %eq3A_136 = arith.cmpi eq, %convert_element_type3A, %eq3A_135 : vector<400x128xi32>
    %select_n3A_137 = arith.select %eq3A_136, %mul3A_58, %select_n3A_133 : vector<400x128xi1>, vector<400x128xf32>
    %eq3A_138 = arith.constant 5 : i32
    %eq3A_139 = vector.broadcast %eq3A_138 : i32 to vector<400x128xi32>
    %eq3A_140 = arith.cmpi eq, %convert_element_type3A, %eq3A_139 : vector<400x128xi32>
    %select_n3A_141 = arith.select %eq3A_140, %mul3A_21, %broadcast_in_dim3A_59 : vector<400x128xi1>, vector<400x128xf32>
    %eq3A_142 = arith.constant 6 : i32
    %eq3A_143 = vector.broadcast %eq3A_142 : i32 to vector<400x128xi32>
    %eq3A_144 = arith.cmpi eq, %convert_element_type3A, %eq3A_143 : vector<400x128xi32>
    %select_n3A_145 = arith.select %eq3A_144, %mul3A_37, %select_n3A_141 : vector<400x128xi1>, vector<400x128xf32>
    %eq3A_146 = arith.constant 7 : i32
    %eq3A_147 = vector.broadcast %eq3A_146 : i32 to vector<400x128xi32>
    %eq3A_148 = arith.cmpi eq, %convert_element_type3A, %eq3A_147 : vector<400x128xi32>
    %select_n3A_149 = arith.select %eq3A_148, %mul3A_50, %select_n3A_145 : vector<400x128xi1>, vector<400x128xf32>
    %eq3A_150 = arith.constant 8 : i32
    %eq3A_151 = vector.broadcast %eq3A_150 : i32 to vector<400x128xi32>
    %eq3A_152 = arith.cmpi eq, %convert_element_type3A, %eq3A_151 : vector<400x128xi32>
    %select_n3A_153 = arith.select %eq3A_152, %mul3A_58, %select_n3A_149 : vector<400x128xi1>, vector<400x128xf32>
    %eq3A_154 = arith.constant 6 : i32
    %eq3A_155 = vector.broadcast %eq3A_154 : i32 to vector<400x128xi32>
    %eq3A_156 = arith.cmpi eq, %convert_element_type3A, %eq3A_155 : vector<400x128xi32>
    %select_n3A_157 = arith.select %eq3A_156, %mul3A_21, %broadcast_in_dim3A_59 : vector<400x128xi1>, vector<400x128xf32>
    %eq3A_158 = arith.constant 7 : i32
    %eq3A_159 = vector.broadcast %eq3A_158 : i32 to vector<400x128xi32>
    %eq3A_160 = arith.cmpi eq, %convert_element_type3A, %eq3A_159 : vector<400x128xi32>
    %select_n3A_161 = arith.select %eq3A_160, %mul3A_37, %select_n3A_157 : vector<400x128xi1>, vector<400x128xf32>
    %eq3A_162 = arith.constant 8 : i32
    %eq3A_163 = vector.broadcast %eq3A_162 : i32 to vector<400x128xi32>
    %eq3A_164 = arith.cmpi eq, %convert_element_type3A, %eq3A_163 : vector<400x128xi32>
    %select_n3A_165 = arith.select %eq3A_164, %mul3A_50, %select_n3A_161 : vector<400x128xi1>, vector<400x128xf32>
    %eq3A_166 = arith.constant 9 : i32
    %eq3A_167 = vector.broadcast %eq3A_166 : i32 to vector<400x128xi32>
    %eq3A_168 = arith.cmpi eq, %convert_element_type3A, %eq3A_167 : vector<400x128xi32>
    %select_n3A_169 = arith.select %eq3A_168, %mul3A_58, %select_n3A_165 : vector<400x128xi1>, vector<400x128xf32>
    %eq3A_170 = arith.constant 7 : i32
    %eq3A_171 = vector.broadcast %eq3A_170 : i32 to vector<400x128xi32>
    %eq3A_172 = arith.cmpi eq, %convert_element_type3A, %eq3A_171 : vector<400x128xi32>
    %select_n3A_173 = arith.select %eq3A_172, %mul3A_21, %broadcast_in_dim3A_59 : vector<400x128xi1>, vector<400x128xf32>
    %eq3A_174 = arith.constant 8 : i32
    %eq3A_175 = vector.broadcast %eq3A_174 : i32 to vector<400x128xi32>
    %eq3A_176 = arith.cmpi eq, %convert_element_type3A, %eq3A_175 : vector<400x128xi32>
    %select_n3A_177 = arith.select %eq3A_176, %mul3A_37, %select_n3A_173 : vector<400x128xi1>, vector<400x128xf32>
    %eq3A_178 = arith.constant 9 : i32
    %eq3A_179 = vector.broadcast %eq3A_178 : i32 to vector<400x128xi32>
    %eq3A_180 = arith.cmpi eq, %convert_element_type3A, %eq3A_179 : vector<400x128xi32>
    %select_n3A_181 = arith.select %eq3A_180, %mul3A_50, %select_n3A_177 : vector<400x128xi1>, vector<400x128xf32>
    %eq3A_182 = arith.constant 10 : i32
    %eq3A_183 = vector.broadcast %eq3A_182 : i32 to vector<400x128xi32>
    %eq3A_184 = arith.cmpi eq, %convert_element_type3A, %eq3A_183 : vector<400x128xi32>
    %select_n3A_185 = arith.select %eq3A_184, %mul3A_58, %select_n3A_181 : vector<400x128xi1>, vector<400x128xf32>
    %get3A_186 = arith.constant 0 : index
    %get3A_187 = arith.constant 0 : index
    %get3A_188 = arith.constant 0 : index
    %get3A_189 = vector.load %arg3[%get3A_186, %get3A_187, %get3A_188] : memref<8x128x128xf32, #tpu.memory_space<vmem>>, vector<1x128x128xf32>
    %get3A_190 = vector.shape_cast %get3A_189 : vector<1x128x128xf32> to vector<128x128xf32>
    %dot_general3A_191 = arith.constant dense<0.000000e+00> : vector<400x128xf32>
    %dot_general3A_192 = tpu.matmul %select_n3A_73, %get3A_190, %dot_general3A_191 {dimension_numbers = #tpu.dot_dimension_numbers<[1], [0], [0], [1], [0, 0, 1, 1], [], []>, transpose_lhs_hint = false} : vector<400x128xf32>, vector<128x128xf32>, vector<400x128xf32> -> vector<400x128xf32>
    %add3A_193 = arith.addf %dot_general3A_10, %dot_general3A_192 : vector<400x128xf32>
    %get3A_194 = arith.constant 1 : index
    %get3A_195 = arith.constant 0 : index
    %get3A_196 = arith.constant 0 : index
    %get3A_197 = vector.load %arg3[%get3A_194, %get3A_195, %get3A_196] : memref<8x128x128xf32, #tpu.memory_space<vmem>>, vector<1x128x128xf32>
    %get3A_198 = vector.shape_cast %get3A_197 : vector<1x128x128xf32> to vector<128x128xf32>
    %dot_general3A_199 = arith.constant dense<0.000000e+00> : vector<400x128xf32>
    %dot_general3A_200 = tpu.matmul %select_n3A_89, %get3A_198, %dot_general3A_199 {dimension_numbers = #tpu.dot_dimension_numbers<[1], [0], [0], [1], [0, 0, 1, 1], [], []>, transpose_lhs_hint = false} : vector<400x128xf32>, vector<128x128xf32>, vector<400x128xf32> -> vector<400x128xf32>
    %add3A_201 = arith.addf %add3A_193, %dot_general3A_200 : vector<400x128xf32>
    %get3A_202 = arith.constant 2 : index
    %get3A_203 = arith.constant 0 : index
    %get3A_204 = arith.constant 0 : index
    %get3A_205 = vector.load %arg3[%get3A_202, %get3A_203, %get3A_204] : memref<8x128x128xf32, #tpu.memory_space<vmem>>, vector<1x128x128xf32>
    %get3A_206 = vector.shape_cast %get3A_205 : vector<1x128x128xf32> to vector<128x128xf32>
    %dot_general3A_207 = arith.constant dense<0.000000e+00> : vector<400x128xf32>
    %dot_general3A_208 = tpu.matmul %select_n3A_105, %get3A_206, %dot_general3A_207 {dimension_numbers = #tpu.dot_dimension_numbers<[1], [0], [0], [1], [0, 0, 1, 1], [], []>, transpose_lhs_hint = false} : vector<400x128xf32>, vector<128x128xf32>, vector<400x128xf32> -> vector<400x128xf32>
    %add3A_209 = arith.addf %add3A_201, %dot_general3A_208 : vector<400x128xf32>
    %get3A_210 = arith.constant 3 : index
    %get3A_211 = arith.constant 0 : index
    %get3A_212 = arith.constant 0 : index
    %get3A_213 = vector.load %arg3[%get3A_210, %get3A_211, %get3A_212] : memref<8x128x128xf32, #tpu.memory_space<vmem>>, vector<1x128x128xf32>
    %get3A_214 = vector.shape_cast %get3A_213 : vector<1x128x128xf32> to vector<128x128xf32>
    %dot_general3A_215 = arith.constant dense<0.000000e+00> : vector<400x128xf32>
    %dot_general3A_216 = tpu.matmul %select_n3A_121, %get3A_214, %dot_general3A_215 {dimension_numbers = #tpu.dot_dimension_numbers<[1], [0], [0], [1], [0, 0, 1, 1], [], []>, transpose_lhs_hint = false} : vector<400x128xf32>, vector<128x128xf32>, vector<400x128xf32> -> vector<400x128xf32>
    %add3A_217 = arith.addf %add3A_209, %dot_general3A_216 : vector<400x128xf32>
    %get3A_218 = arith.constant 4 : index
    %get3A_219 = arith.constant 0 : index
    %get3A_220 = arith.constant 0 : index
    %get3A_221 = vector.load %arg3[%get3A_218, %get3A_219, %get3A_220] : memref<8x128x128xf32, #tpu.memory_space<vmem>>, vector<1x128x128xf32>
    %get3A_222 = vector.shape_cast %get3A_221 : vector<1x128x128xf32> to vector<128x128xf32>
    %dot_general3A_223 = arith.constant dense<0.000000e+00> : vector<400x128xf32>
    %dot_general3A_224 = tpu.matmul %select_n3A_137, %get3A_222, %dot_general3A_223 {dimension_numbers = #tpu.dot_dimension_numbers<[1], [0], [0], [1], [0, 0, 1, 1], [], []>, transpose_lhs_hint = false} : vector<400x128xf32>, vector<128x128xf32>, vector<400x128xf32> -> vector<400x128xf32>
    %add3A_225 = arith.addf %add3A_217, %dot_general3A_224 : vector<400x128xf32>
    %get3A_226 = arith.constant 5 : index
    %get3A_227 = arith.constant 0 : index
    %get3A_228 = arith.constant 0 : index
    %get3A_229 = vector.load %arg3[%get3A_226, %get3A_227, %get3A_228] : memref<8x128x128xf32, #tpu.memory_space<vmem>>, vector<1x128x128xf32>
    %get3A_230 = vector.shape_cast %get3A_229 : vector<1x128x128xf32> to vector<128x128xf32>
    %dot_general3A_231 = arith.constant dense<0.000000e+00> : vector<400x128xf32>
    %dot_general3A_232 = tpu.matmul %select_n3A_153, %get3A_230, %dot_general3A_231 {dimension_numbers = #tpu.dot_dimension_numbers<[1], [0], [0], [1], [0, 0, 1, 1], [], []>, transpose_lhs_hint = false} : vector<400x128xf32>, vector<128x128xf32>, vector<400x128xf32> -> vector<400x128xf32>
    %add3A_233 = arith.addf %add3A_225, %dot_general3A_232 : vector<400x128xf32>
    %get3A_234 = arith.constant 6 : index
    %get3A_235 = arith.constant 0 : index
    %get3A_236 = arith.constant 0 : index
    %get3A_237 = vector.load %arg3[%get3A_234, %get3A_235, %get3A_236] : memref<8x128x128xf32, #tpu.memory_space<vmem>>, vector<1x128x128xf32>
    %get3A_238 = vector.shape_cast %get3A_237 : vector<1x128x128xf32> to vector<128x128xf32>
    %dot_general3A_239 = arith.constant dense<0.000000e+00> : vector<400x128xf32>
    %dot_general3A_240 = tpu.matmul %select_n3A_169, %get3A_238, %dot_general3A_239 {dimension_numbers = #tpu.dot_dimension_numbers<[1], [0], [0], [1], [0, 0, 1, 1], [], []>, transpose_lhs_hint = false} : vector<400x128xf32>, vector<128x128xf32>, vector<400x128xf32> -> vector<400x128xf32>
    %add3A_241 = arith.addf %add3A_233, %dot_general3A_240 : vector<400x128xf32>
    %get3A_242 = arith.constant 7 : index
    %get3A_243 = arith.constant 0 : index
    %get3A_244 = arith.constant 0 : index
    %get3A_245 = vector.load %arg3[%get3A_242, %get3A_243, %get3A_244] : memref<8x128x128xf32, #tpu.memory_space<vmem>>, vector<1x128x128xf32>
    %get3A_246 = vector.shape_cast %get3A_245 : vector<1x128x128xf32> to vector<128x128xf32>
    %dot_general3A_247 = arith.constant dense<0.000000e+00> : vector<400x128xf32>
    %dot_general3A_248 = tpu.matmul %select_n3A_185, %get3A_246, %dot_general3A_247 {dimension_numbers = #tpu.dot_dimension_numbers<[1], [0], [0], [1], [0, 0, 1, 1], [], []>, transpose_lhs_hint = false} : vector<400x128xf32>, vector<128x128xf32>, vector<400x128xf32> -> vector<400x128xf32>
    %add3A_249 = arith.addf %add3A_241, %dot_general3A_248 : vector<400x128xf32>
    %swap3A = arith.constant 0 : index
    %swap3A_250 = arith.constant 0 : index
    %swap3A_251 = vector.load %arg4[%swap3A, %swap3A_250] : memref<400x128xf32, #tpu.memory_space<vmem>>, vector<400x128xf32>
    tpu.vector_store %arg4[%swap3A, %swap3A_250], %add3A_249 {strides = array<i32>} : memref<400x128xf32, #tpu.memory_space<vmem>>, vector<400x128xf32>,
    return
  }
  func.func @transform_0(%arg0: i32) -> (i32, i32) {
    %c0_i32 = arith.constant 0 : i32
    %c0_i32_0 = arith.constant 0 : i32
    return %arg0, %c0_i32 : i32, i32
  }
  func.func @transform_1(%arg0: i32) -> (i32, i32) {
    %c0_i32 = arith.constant 0 : i32
    %c0_i32_0 = arith.constant 0 : i32
    %c0_i32_1 = arith.constant 0 : i32
    return %c0_i32, %c0_i32_0 : i32, i32
  }
  func.func @transform_2(%arg0: i32) -> (i32, i32, i32) {
    %c0_i32 = arith.constant 0 : i32
    %c0_i32_0 = arith.constant 0 : i32
    %c0_i32_1 = arith.constant 0 : i32
    %c0_i32_2 = arith.constant 0 : i32
    return %c0_i32, %c0_i32_0, %c0_i32_1 : i32, i32, i32
  }
  func.func @transform_3(%arg0: i32) -> (i32, i32) {
    %c0_i32 = arith.constant 0 : i32
    %c0_i32_0 = arith.constant 0 : i32
    return %arg0, %c0_i32 : i32, i32
  }
}

module attributes {stable_mosaic.version = 14 : i64} {
  func.func @_tc_kan_conv_body(%arg0: i32, %arg1: memref<2x400x128xf32, #tpu.memory_space<vmem>>, %arg2: memref<2x400x1xf32, #tpu.memory_space<vmem>>, %arg3: memref<400x128xf32, #tpu.memory_space<vmem>>, %arg4: memref<128x128xf32, #tpu.memory_space<vmem>>, %arg5: memref<8x128x128xf32, #tpu.memory_space<vmem>>, %arg6: memref<400x128xf32, #tpu.memory_space<vmem>>) attributes {dimension_semantics = [#tpu.dimension_semantics<arbitrary>], iteration_bounds = array<i64: 25>, scalar_prefetch = 0 : i64, scratch_operands = 0 : i64, tpu.core_type = #tpu.core_type<tc>, window_params = [{transform_indices = @transform_0, window_bounds = array<i64: 2, 400, 128>}, {transform_indices = @transform_1, window_bounds = array<i64: 2, 400, 1>}, {transform_indices = @transform_2, window_bounds = array<i64: 400, 128>}, {pipeline_mode = #tpu.pipeline_mode<synchronous>, transform_indices = @transform_3, window_bounds = array<i64: 128, 128>}, {pipeline_mode = #tpu.pipeline_mode<synchronous>, transform_indices = @transform_4, window_bounds = array<i64: 8, 128, 128>}, {transform_indices = @transform_5, window_bounds = array<i64: 400, 128>}]} {
    %get3A = arith.constant 0 : index
    %get3A_0 = arith.constant 0 : index
    %get3A_1 = arith.constant 0 : index
    %get3A_2 = vector.load %arg1[%get3A, %get3A_0, %get3A_1] : memref<2x400x128xf32, #tpu.memory_space<vmem>>, vector<1x400x128xf32>
    %get3A_3 = vector.shape_cast %get3A_2 : vector<1x400x128xf32> to vector<400x128xf32>
    %get3A_4 = arith.constant 1 : index
    %get3A_5 = arith.constant 0 : index
    %get3A_6 = arith.constant 0 : index
    %get3A_7 = vector.load %arg1[%get3A_4, %get3A_5, %get3A_6] : memref<2x400x128xf32, #tpu.memory_space<vmem>>, vector<1x400x128xf32>
    %get3A_8 = vector.shape_cast %get3A_7 : vector<1x400x128xf32> to vector<400x128xf32>
    %add3A = arith.addf %get3A_3, %get3A_8 : vector<400x128xf32>
    %get3A_9 = arith.constant 0 : index
    %get3A_10 = arith.constant 0 : index
    %get3A_11 = arith.constant 0 : index
    %get3A_12 = vector.load %arg2[%get3A_9, %get3A_10, %get3A_11] : memref<2x400x1xf32, #tpu.memory_space<vmem>>, vector<1x400x1xf32>
    %get3A_13 = vector.shape_cast %get3A_12 : vector<1x400x1xf32> to vector<400x1xf32>
    %get3A_14 = arith.constant 1 : index
    %get3A_15 = arith.constant 0 : index
    %get3A_16 = arith.constant 0 : index
    %get3A_17 = vector.load %arg2[%get3A_14, %get3A_15, %get3A_16] : memref<2x400x1xf32, #tpu.memory_space<vmem>>, vector<1x400x1xf32>
    %get3A_18 = vector.shape_cast %get3A_17 : vector<1x400x1xf32> to vector<400x1xf32>
    %add3A_19 = arith.addf %get3A_13, %get3A_18 : vector<400x1xf32>
    %max3A = arith.constant 1.000000e+00 : f32
    %max3A_20 = vector.broadcast %max3A : f32 to vector<400x1xf32>
    %max3A_21 = arith.maximumf %add3A_19, %max3A_20 : vector<400x1xf32>
    %rsqrt3A = math.rsqrt %max3A_21 : vector<400x1xf32>
    %mul3A = vector.broadcast %rsqrt3A : vector<400x1xf32> to vector<400x128xf32>
    %mul3A_22 = arith.mulf %add3A, %mul3A : vector<400x128xf32>
    %get3A_23 = arith.constant 0 : index
    %get3A_24 = arith.constant 0 : index
    %get3A_25 = vector.load %arg3[%get3A_23, %get3A_24] : memref<400x128xf32, #tpu.memory_space<vmem>>, vector<400x128xf32>
    %logistic3A = arith.negf %mul3A_22 : vector<400x128xf32>
    %logistic3A_26 = math.exp %logistic3A : vector<400x128xf32>
    %logistic3A_27 = arith.constant 1.000000e+00 : f32
    %logistic3A_28 = vector.broadcast %logistic3A_27 : f32 to vector<400x128xf32>
    %logistic3A_29 = arith.addf %logistic3A_28, %logistic3A_26 : vector<400x128xf32>
    %logistic3A_30 = arith.divf %logistic3A_28, %logistic3A_29 : vector<400x128xf32>
    %mul3A_31 = arith.mulf %mul3A_22, %logistic3A_30 : vector<400x128xf32>
    %get3A_32 = arith.constant 0 : index
    %get3A_33 = arith.constant 0 : index
    %get3A_34 = vector.load %arg4[%get3A_32, %get3A_33] : memref<128x128xf32, #tpu.memory_space<vmem>>, vector<128x128xf32>
    %dot_general3A = arith.constant dense<0.000000e+00> : vector<400x128xf32>
    %dot_general3A_35 = tpu.matmul %mul3A_31, %get3A_34, %dot_general3A {dimension_numbers = #tpu.dot_dimension_numbers<[1], [0], [0], [1], [0, 0, 1, 1], [], []>, transpose_lhs_hint = false} : vector<400x128xf32>, vector<128x128xf32>, vector<400x128xf32> -> vector<400x128xf32>
    %sub3A = arith.constant -2.200000e+00 : f32
    %sub3A_36 = vector.broadcast %sub3A : f32 to vector<400x128xf32>
    %sub3A_37 = arith.subf %mul3A_22, %sub3A_36 : vector<400x128xf32>
    %mul3A_38 = arith.constant 2.500000e+00 : f32
    %mul3A_39 = vector.broadcast %mul3A_38 : f32 to vector<400x128xf32>
    %mul3A_40 = arith.mulf %sub3A_37, %mul3A_39 : vector<400x128xf32>
    %floor3A = math.floor %mul3A_40 : vector<400x128xf32>
    %sub3A_41 = arith.subf %mul3A_40, %floor3A : vector<400x128xf32>
    %convert_element_type3A = arith.fptosi %floor3A : vector<400x128xf32> to vector<400x128xi32>
    %mul3A_42 = arith.mulf %sub3A_41, %sub3A_41 : vector<400x128xf32>
    %mul3A_43 = arith.mulf %mul3A_42, %sub3A_41 : vector<400x128xf32>
    %mul3A_44 = arith.constant 0.166666672 : f32
    %mul3A_45 = vector.broadcast %mul3A_44 : f32 to vector<400x128xf32>
    %mul3A_46 = arith.mulf %mul3A_43, %mul3A_45 : vector<400x128xf32>
    %mul3A_47 = arith.constant -3.000000e+00 : f32
    %mul3A_48 = vector.broadcast %mul3A_47 : f32 to vector<400x128xf32>
    %mul3A_49 = arith.mulf %mul3A_48, %mul3A_43 : vector<400x128xf32>
    %mul3A_50 = arith.constant 3.000000e+00 : f32
    %mul3A_51 = vector.broadcast %mul3A_50 : f32 to vector<400x128xf32>
    %mul3A_52 = arith.mulf %mul3A_51, %mul3A_42 : vector<400x128xf32>
    %add3A_53 = arith.addf %mul3A_49, %mul3A_52 : vector<400x128xf32>
    %mul3A_54 = arith.constant 3.000000e+00 : f32
    %mul3A_55 = vector.broadcast %mul3A_54 : f32 to vector<400x128xf32>
    %mul3A_56 = arith.mulf %mul3A_55, %sub3A_41 : vector<400x128xf32>
    %add3A_57 = arith.addf %add3A_53, %mul3A_56 : vector<400x128xf32>
    %add3A_58 = arith.constant 1.000000e+00 : f32
    %add3A_59 = vector.broadcast %add3A_58 : f32 to vector<400x128xf32>
    %add3A_60 = arith.addf %add3A_57, %add3A_59 : vector<400x128xf32>
    %mul3A_61 = arith.constant 0.166666672 : f32
    %mul3A_62 = vector.broadcast %mul3A_61 : f32 to vector<400x128xf32>
    %mul3A_63 = arith.mulf %add3A_60, %mul3A_62 : vector<400x128xf32>
    %mul3A_64 = arith.constant 3.000000e+00 : f32
    %mul3A_65 = vector.broadcast %mul3A_64 : f32 to vector<400x128xf32>
    %mul3A_66 = arith.mulf %mul3A_65, %mul3A_43 : vector<400x128xf32>
    %mul3A_67 = arith.constant 6.000000e+00 : f32
    %mul3A_68 = vector.broadcast %mul3A_67 : f32 to vector<400x128xf32>
    %mul3A_69 = arith.mulf %mul3A_68, %mul3A_42 : vector<400x128xf32>
    %sub3A_70 = arith.subf %mul3A_66, %mul3A_69 : vector<400x128xf32>
    %add3A_71 = arith.constant 4.000000e+00 : f32
    %add3A_72 = vector.broadcast %add3A_71 : f32 to vector<400x128xf32>
    %add3A_73 = arith.addf %sub3A_70, %add3A_72 : vector<400x128xf32>
    %mul3A_74 = arith.constant 0.166666672 : f32
    %mul3A_75 = vector.broadcast %mul3A_74 : f32 to vector<400x128xf32>
    %mul3A_76 = arith.mulf %add3A_73, %mul3A_75 : vector<400x128xf32>
    %sub3A_77 = arith.constant 1.000000e+00 : f32
    %sub3A_78 = vector.broadcast %sub3A_77 : f32 to vector<400x128xf32>
    %sub3A_79 = arith.subf %sub3A_78, %sub3A_41 : vector<400x128xf32>
    %mul3A_80 = arith.mulf %sub3A_79, %sub3A_79 : vector<400x128xf32>
    %mul3A_81 = arith.mulf %mul3A_80, %sub3A_79 : vector<400x128xf32>
    %mul3A_82 = arith.constant 0.166666672 : f32
    %mul3A_83 = vector.broadcast %mul3A_82 : f32 to vector<400x128xf32>
    %mul3A_84 = arith.mulf %mul3A_81, %mul3A_83 : vector<400x128xf32>
    %broadcast_in_dim3A = arith.constant 0.000000e+00 : f32
    %broadcast_in_dim3A_85 = vector.broadcast %broadcast_in_dim3A : f32 to vector<400x128xf32>
    %eq3A = arith.constant 0 : i32
    %eq3A_86 = vector.broadcast %eq3A : i32 to vector<400x128xi32>
    %eq3A_87 = arith.cmpi eq, %convert_element_type3A, %eq3A_86 : vector<400x128xi32>
    %select_n3A = arith.select %eq3A_87, %mul3A_46, %broadcast_in_dim3A_85 : vector<400x128xi1>, vector<400x128xf32>
    %eq3A_88 = arith.constant 1 : i32
    %eq3A_89 = vector.broadcast %eq3A_88 : i32 to vector<400x128xi32>
    %eq3A_90 = arith.cmpi eq, %convert_element_type3A, %eq3A_89 : vector<400x128xi32>
    %select_n3A_91 = arith.select %eq3A_90, %mul3A_63, %select_n3A : vector<400x128xi1>, vector<400x128xf32>
    %eq3A_92 = arith.constant 2 : i32
    %eq3A_93 = vector.broadcast %eq3A_92 : i32 to vector<400x128xi32>
    %eq3A_94 = arith.cmpi eq, %convert_element_type3A, %eq3A_93 : vector<400x128xi32>
    %select_n3A_95 = arith.select %eq3A_94, %mul3A_76, %select_n3A_91 : vector<400x128xi1>, vector<400x128xf32>
    %eq3A_96 = arith.constant 3 : i32
    %eq3A_97 = vector.broadcast %eq3A_96 : i32 to vector<400x128xi32>
    %eq3A_98 = arith.cmpi eq, %convert_element_type3A, %eq3A_97 : vector<400x128xi32>
    %select_n3A_99 = arith.select %eq3A_98, %mul3A_84, %select_n3A_95 : vector<400x128xi1>, vector<400x128xf32>
    %eq3A_100 = arith.constant 1 : i32
    %eq3A_101 = vector.broadcast %eq3A_100 : i32 to vector<400x128xi32>
    %eq3A_102 = arith.cmpi eq, %convert_element_type3A, %eq3A_101 : vector<400x128xi32>
    %select_n3A_103 = arith.select %eq3A_102, %mul3A_46, %broadcast_in_dim3A_85 : vector<400x128xi1>, vector<400x128xf32>
    %eq3A_104 = arith.constant 2 : i32
    %eq3A_105 = vector.broadcast %eq3A_104 : i32 to vector<400x128xi32>
    %eq3A_106 = arith.cmpi eq, %convert_element_type3A, %eq3A_105 : vector<400x128xi32>
    %select_n3A_107 = arith.select %eq3A_106, %mul3A_63, %select_n3A_103 : vector<400x128xi1>, vector<400x128xf32>
    %eq3A_108 = arith.constant 3 : i32
    %eq3A_109 = vector.broadcast %eq3A_108 : i32 to vector<400x128xi32>
    %eq3A_110 = arith.cmpi eq, %convert_element_type3A, %eq3A_109 : vector<400x128xi32>
    %select_n3A_111 = arith.select %eq3A_110, %mul3A_76, %select_n3A_107 : vector<400x128xi1>, vector<400x128xf32>
    %eq3A_112 = arith.constant 4 : i32
    %eq3A_113 = vector.broadcast %eq3A_112 : i32 to vector<400x128xi32>
    %eq3A_114 = arith.cmpi eq, %convert_element_type3A, %eq3A_113 : vector<400x128xi32>
    %select_n3A_115 = arith.select %eq3A_114, %mul3A_84, %select_n3A_111 : vector<400x128xi1>, vector<400x128xf32>
    %eq3A_116 = arith.constant 2 : i32
    %eq3A_117 = vector.broadcast %eq3A_116 : i32 to vector<400x128xi32>
    %eq3A_118 = arith.cmpi eq, %convert_element_type3A, %eq3A_117 : vector<400x128xi32>
    %select_n3A_119 = arith.select %eq3A_118, %mul3A_46, %broadcast_in_dim3A_85 : vector<400x128xi1>, vector<400x128xf32>
    %eq3A_120 = arith.constant 3 : i32
    %eq3A_121 = vector.broadcast %eq3A_120 : i32 to vector<400x128xi32>
    %eq3A_122 = arith.cmpi eq, %convert_element_type3A, %eq3A_121 : vector<400x128xi32>
    %select_n3A_123 = arith.select %eq3A_122, %mul3A_63, %select_n3A_119 : vector<400x128xi1>, vector<400x128xf32>
    %eq3A_124 = arith.constant 4 : i32
    %eq3A_125 = vector.broadcast %eq3A_124 : i32 to vector<400x128xi32>
    %eq3A_126 = arith.cmpi eq, %convert_element_type3A, %eq3A_125 : vector<400x128xi32>
    %select_n3A_127 = arith.select %eq3A_126, %mul3A_76, %select_n3A_123 : vector<400x128xi1>, vector<400x128xf32>
    %eq3A_128 = arith.constant 5 : i32
    %eq3A_129 = vector.broadcast %eq3A_128 : i32 to vector<400x128xi32>
    %eq3A_130 = arith.cmpi eq, %convert_element_type3A, %eq3A_129 : vector<400x128xi32>
    %select_n3A_131 = arith.select %eq3A_130, %mul3A_84, %select_n3A_127 : vector<400x128xi1>, vector<400x128xf32>
    %eq3A_132 = arith.constant 3 : i32
    %eq3A_133 = vector.broadcast %eq3A_132 : i32 to vector<400x128xi32>
    %eq3A_134 = arith.cmpi eq, %convert_element_type3A, %eq3A_133 : vector<400x128xi32>
    %select_n3A_135 = arith.select %eq3A_134, %mul3A_46, %broadcast_in_dim3A_85 : vector<400x128xi1>, vector<400x128xf32>
    %eq3A_136 = arith.constant 4 : i32
    %eq3A_137 = vector.broadcast %eq3A_136 : i32 to vector<400x128xi32>
    %eq3A_138 = arith.cmpi eq, %convert_element_type3A, %eq3A_137 : vector<400x128xi32>
    %select_n3A_139 = arith.select %eq3A_138, %mul3A_63, %select_n3A_135 : vector<400x128xi1>, vector<400x128xf32>
    %eq3A_140 = arith.constant 5 : i32
    %eq3A_141 = vector.broadcast %eq3A_140 : i32 to vector<400x128xi32>
    %eq3A_142 = arith.cmpi eq, %convert_element_type3A, %eq3A_141 : vector<400x128xi32>
    %select_n3A_143 = arith.select %eq3A_142, %mul3A_76, %select_n3A_139 : vector<400x128xi1>, vector<400x128xf32>
    %eq3A_144 = arith.constant 6 : i32
    %eq3A_145 = vector.broadcast %eq3A_144 : i32 to vector<400x128xi32>
    %eq3A_146 = arith.cmpi eq, %convert_element_type3A, %eq3A_145 : vector<400x128xi32>
    %select_n3A_147 = arith.select %eq3A_146, %mul3A_84, %select_n3A_143 : vector<400x128xi1>, vector<400x128xf32>
    %eq3A_148 = arith.constant 4 : i32
    %eq3A_149 = vector.broadcast %eq3A_148 : i32 to vector<400x128xi32>
    %eq3A_150 = arith.cmpi eq, %convert_element_type3A, %eq3A_149 : vector<400x128xi32>
    %select_n3A_151 = arith.select %eq3A_150, %mul3A_46, %broadcast_in_dim3A_85 : vector<400x128xi1>, vector<400x128xf32>
    %eq3A_152 = arith.constant 5 : i32
    %eq3A_153 = vector.broadcast %eq3A_152 : i32 to vector<400x128xi32>
    %eq3A_154 = arith.cmpi eq, %convert_element_type3A, %eq3A_153 : vector<400x128xi32>
    %select_n3A_155 = arith.select %eq3A_154, %mul3A_63, %select_n3A_151 : vector<400x128xi1>, vector<400x128xf32>
    %eq3A_156 = arith.constant 6 : i32
    %eq3A_157 = vector.broadcast %eq3A_156 : i32 to vector<400x128xi32>
    %eq3A_158 = arith.cmpi eq, %convert_element_type3A, %eq3A_157 : vector<400x128xi32>
    %select_n3A_159 = arith.select %eq3A_158, %mul3A_76, %select_n3A_155 : vector<400x128xi1>, vector<400x128xf32>
    %eq3A_160 = arith.constant 7 : i32
    %eq3A_161 = vector.broadcast %eq3A_160 : i32 to vector<400x128xi32>
    %eq3A_162 = arith.cmpi eq, %convert_element_type3A, %eq3A_161 : vector<400x128xi32>
    %select_n3A_163 = arith.select %eq3A_162, %mul3A_84, %select_n3A_159 : vector<400x128xi1>, vector<400x128xf32>
    %eq3A_164 = arith.constant 5 : i32
    %eq3A_165 = vector.broadcast %eq3A_164 : i32 to vector<400x128xi32>
    %eq3A_166 = arith.cmpi eq, %convert_element_type3A, %eq3A_165 : vector<400x128xi32>
    %select_n3A_167 = arith.select %eq3A_166, %mul3A_46, %broadcast_in_dim3A_85 : vector<400x128xi1>, vector<400x128xf32>
    %eq3A_168 = arith.constant 6 : i32
    %eq3A_169 = vector.broadcast %eq3A_168 : i32 to vector<400x128xi32>
    %eq3A_170 = arith.cmpi eq, %convert_element_type3A, %eq3A_169 : vector<400x128xi32>
    %select_n3A_171 = arith.select %eq3A_170, %mul3A_63, %select_n3A_167 : vector<400x128xi1>, vector<400x128xf32>
    %eq3A_172 = arith.constant 7 : i32
    %eq3A_173 = vector.broadcast %eq3A_172 : i32 to vector<400x128xi32>
    %eq3A_174 = arith.cmpi eq, %convert_element_type3A, %eq3A_173 : vector<400x128xi32>
    %select_n3A_175 = arith.select %eq3A_174, %mul3A_76, %select_n3A_171 : vector<400x128xi1>, vector<400x128xf32>
    %eq3A_176 = arith.constant 8 : i32
    %eq3A_177 = vector.broadcast %eq3A_176 : i32 to vector<400x128xi32>
    %eq3A_178 = arith.cmpi eq, %convert_element_type3A, %eq3A_177 : vector<400x128xi32>
    %select_n3A_179 = arith.select %eq3A_178, %mul3A_84, %select_n3A_175 : vector<400x128xi1>, vector<400x128xf32>
    %eq3A_180 = arith.constant 6 : i32
    %eq3A_181 = vector.broadcast %eq3A_180 : i32 to vector<400x128xi32>
    %eq3A_182 = arith.cmpi eq, %convert_element_type3A, %eq3A_181 : vector<400x128xi32>
    %select_n3A_183 = arith.select %eq3A_182, %mul3A_46, %broadcast_in_dim3A_85 : vector<400x128xi1>, vector<400x128xf32>
    %eq3A_184 = arith.constant 7 : i32
    %eq3A_185 = vector.broadcast %eq3A_184 : i32 to vector<400x128xi32>
    %eq3A_186 = arith.cmpi eq, %convert_element_type3A, %eq3A_185 : vector<400x128xi32>
    %select_n3A_187 = arith.select %eq3A_186, %mul3A_63, %select_n3A_183 : vector<400x128xi1>, vector<400x128xf32>
    %eq3A_188 = arith.constant 8 : i32
    %eq3A_189 = vector.broadcast %eq3A_188 : i32 to vector<400x128xi32>
    %eq3A_190 = arith.cmpi eq, %convert_element_type3A, %eq3A_189 : vector<400x128xi32>
    %select_n3A_191 = arith.select %eq3A_190, %mul3A_76, %select_n3A_187 : vector<400x128xi1>, vector<400x128xf32>
    %eq3A_192 = arith.constant 9 : i32
    %eq3A_193 = vector.broadcast %eq3A_192 : i32 to vector<400x128xi32>
    %eq3A_194 = arith.cmpi eq, %convert_element_type3A, %eq3A_193 : vector<400x128xi32>
    %select_n3A_195 = arith.select %eq3A_194, %mul3A_84, %select_n3A_191 : vector<400x128xi1>, vector<400x128xf32>
    %eq3A_196 = arith.constant 7 : i32
    %eq3A_197 = vector.broadcast %eq3A_196 : i32 to vector<400x128xi32>
    %eq3A_198 = arith.cmpi eq, %convert_element_type3A, %eq3A_197 : vector<400x128xi32>
    %select_n3A_199 = arith.select %eq3A_198, %mul3A_46, %broadcast_in_dim3A_85 : vector<400x128xi1>, vector<400x128xf32>
    %eq3A_200 = arith.constant 8 : i32
    %eq3A_201 = vector.broadcast %eq3A_200 : i32 to vector<400x128xi32>
    %eq3A_202 = arith.cmpi eq, %convert_element_type3A, %eq3A_201 : vector<400x128xi32>
    %select_n3A_203 = arith.select %eq3A_202, %mul3A_63, %select_n3A_199 : vector<400x128xi1>, vector<400x128xf32>
    %eq3A_204 = arith.constant 9 : i32
    %eq3A_205 = vector.broadcast %eq3A_204 : i32 to vector<400x128xi32>
    %eq3A_206 = arith.cmpi eq, %convert_element_type3A, %eq3A_205 : vector<400x128xi32>
    %select_n3A_207 = arith.select %eq3A_206, %mul3A_76, %select_n3A_203 : vector<400x128xi1>, vector<400x128xf32>
    %eq3A_208 = arith.constant 10 : i32
    %eq3A_209 = vector.broadcast %eq3A_208 : i32 to vector<400x128xi32>
    %eq3A_210 = arith.cmpi eq, %convert_element_type3A, %eq3A_209 : vector<400x128xi32>
    %select_n3A_211 = arith.select %eq3A_210, %mul3A_84, %select_n3A_207 : vector<400x128xi1>, vector<400x128xf32>
    %get3A_212 = arith.constant 0 : index
    %get3A_213 = arith.constant 0 : index
    %get3A_214 = arith.constant 0 : index
    %get3A_215 = vector.load %arg5[%get3A_212, %get3A_213, %get3A_214] : memref<8x128x128xf32, #tpu.memory_space<vmem>>, vector<1x128x128xf32>
    %get3A_216 = vector.shape_cast %get3A_215 : vector<1x128x128xf32> to vector<128x128xf32>
    %dot_general3A_217 = arith.constant dense<0.000000e+00> : vector<400x128xf32>
    %dot_general3A_218 = tpu.matmul %select_n3A_99, %get3A_216, %dot_general3A_217 {dimension_numbers = #tpu.dot_dimension_numbers<[1], [0], [0], [1], [0, 0, 1, 1], [], []>, transpose_lhs_hint = false} : vector<400x128xf32>, vector<128x128xf32>, vector<400x128xf32> -> vector<400x128xf32>
    %add3A_219 = arith.addf %dot_general3A_35, %dot_general3A_218 : vector<400x128xf32>
    %get3A_220 = arith.constant 1 : index
    %get3A_221 = arith.constant 0 : index
    %get3A_222 = arith.constant 0 : index
    %get3A_223 = vector.load %arg5[%get3A_220, %get3A_221, %get3A_222] : memref<8x128x128xf32, #tpu.memory_space<vmem>>, vector<1x128x128xf32>
    %get3A_224 = vector.shape_cast %get3A_223 : vector<1x128x128xf32> to vector<128x128xf32>
    %dot_general3A_225 = arith.constant dense<0.000000e+00> : vector<400x128xf32>
    %dot_general3A_226 = tpu.matmul %select_n3A_115, %get3A_224, %dot_general3A_225 {dimension_numbers = #tpu.dot_dimension_numbers<[1], [0], [0], [1], [0, 0, 1, 1], [], []>, transpose_lhs_hint = false} : vector<400x128xf32>, vector<128x128xf32>, vector<400x128xf32> -> vector<400x128xf32>
    %add3A_227 = arith.addf %add3A_219, %dot_general3A_226 : vector<400x128xf32>
    %get3A_228 = arith.constant 2 : index
    %get3A_229 = arith.constant 0 : index
    %get3A_230 = arith.constant 0 : index
    %get3A_231 = vector.load %arg5[%get3A_228, %get3A_229, %get3A_230] : memref<8x128x128xf32, #tpu.memory_space<vmem>>, vector<1x128x128xf32>
    %get3A_232 = vector.shape_cast %get3A_231 : vector<1x128x128xf32> to vector<128x128xf32>
    %dot_general3A_233 = arith.constant dense<0.000000e+00> : vector<400x128xf32>
    %dot_general3A_234 = tpu.matmul %select_n3A_131, %get3A_232, %dot_general3A_233 {dimension_numbers = #tpu.dot_dimension_numbers<[1], [0], [0], [1], [0, 0, 1, 1], [], []>, transpose_lhs_hint = false} : vector<400x128xf32>, vector<128x128xf32>, vector<400x128xf32> -> vector<400x128xf32>
    %add3A_235 = arith.addf %add3A_227, %dot_general3A_234 : vector<400x128xf32>
    %get3A_236 = arith.constant 3 : index
    %get3A_237 = arith.constant 0 : index
    %get3A_238 = arith.constant 0 : index
    %get3A_239 = vector.load %arg5[%get3A_236, %get3A_237, %get3A_238] : memref<8x128x128xf32, #tpu.memory_space<vmem>>, vector<1x128x128xf32>
    %get3A_240 = vector.shape_cast %get3A_239 : vector<1x128x128xf32> to vector<128x128xf32>
    %dot_general3A_241 = arith.constant dense<0.000000e+00> : vector<400x128xf32>
    %dot_general3A_242 = tpu.matmul %select_n3A_147, %get3A_240, %dot_general3A_241 {dimension_numbers = #tpu.dot_dimension_numbers<[1], [0], [0], [1], [0, 0, 1, 1], [], []>, transpose_lhs_hint = false} : vector<400x128xf32>, vector<128x128xf32>, vector<400x128xf32> -> vector<400x128xf32>
    %add3A_243 = arith.addf %add3A_235, %dot_general3A_242 : vector<400x128xf32>
    %get3A_244 = arith.constant 4 : index
    %get3A_245 = arith.constant 0 : index
    %get3A_246 = arith.constant 0 : index
    %get3A_247 = vector.load %arg5[%get3A_244, %get3A_245, %get3A_246] : memref<8x128x128xf32, #tpu.memory_space<vmem>>, vector<1x128x128xf32>
    %get3A_248 = vector.shape_cast %get3A_247 : vector<1x128x128xf32> to vector<128x128xf32>
    %dot_general3A_249 = arith.constant dense<0.000000e+00> : vector<400x128xf32>
    %dot_general3A_250 = tpu.matmul %select_n3A_163, %get3A_248, %dot_general3A_249 {dimension_numbers = #tpu.dot_dimension_numbers<[1], [0], [0], [1], [0, 0, 1, 1], [], []>, transpose_lhs_hint = false} : vector<400x128xf32>, vector<128x128xf32>, vector<400x128xf32> -> vector<400x128xf32>
    %add3A_251 = arith.addf %add3A_243, %dot_general3A_250 : vector<400x128xf32>
    %get3A_252 = arith.constant 5 : index
    %get3A_253 = arith.constant 0 : index
    %get3A_254 = arith.constant 0 : index
    %get3A_255 = vector.load %arg5[%get3A_252, %get3A_253, %get3A_254] : memref<8x128x128xf32, #tpu.memory_space<vmem>>, vector<1x128x128xf32>
    %get3A_256 = vector.shape_cast %get3A_255 : vector<1x128x128xf32> to vector<128x128xf32>
    %dot_general3A_257 = arith.constant dense<0.000000e+00> : vector<400x128xf32>
    %dot_general3A_258 = tpu.matmul %select_n3A_179, %get3A_256, %dot_general3A_257 {dimension_numbers = #tpu.dot_dimension_numbers<[1], [0], [0], [1], [0, 0, 1, 1], [], []>, transpose_lhs_hint = false} : vector<400x128xf32>, vector<128x128xf32>, vector<400x128xf32> -> vector<400x128xf32>
    %add3A_259 = arith.addf %add3A_251, %dot_general3A_258 : vector<400x128xf32>
    %get3A_260 = arith.constant 6 : index
    %get3A_261 = arith.constant 0 : index
    %get3A_262 = arith.constant 0 : index
    %get3A_263 = vector.load %arg5[%get3A_260, %get3A_261, %get3A_262] : memref<8x128x128xf32, #tpu.memory_space<vmem>>, vector<1x128x128xf32>
    %get3A_264 = vector.shape_cast %get3A_263 : vector<1x128x128xf32> to vector<128x128xf32>
    %dot_general3A_265 = arith.constant dense<0.000000e+00> : vector<400x128xf32>
    %dot_general3A_266 = tpu.matmul %select_n3A_195, %get3A_264, %dot_general3A_265 {dimension_numbers = #tpu.dot_dimension_numbers<[1], [0], [0], [1], [0, 0, 1, 1], [], []>, transpose_lhs_hint = false} : vector<400x128xf32>, vector<128x128xf32>, vector<400x128xf32> -> vector<400x128xf32>
    %add3A_267 = arith.addf %add3A_259, %dot_general3A_266 : vector<400x128xf32>
    %get3A_268 = arith.constant 7 : index
    %get3A_269 = arith.constant 0 : index
    %get3A_270 = arith.constant 0 : index
    %get3A_271 = vector.load %arg5[%get3A_268, %get3A_269, %get3A_270] : memref<8x128x128xf32, #tpu.memory_space<vmem>>, vector<1x128x128xf32>
    %get3A_272 = vector.shape_cast %get3A_271 : vector<1x128x128xf32> to vector<128x128xf32>
    %dot_general3A_273 = arith.constant dense<0.000000e+00> : vector<400x128xf32>
    %dot_general3A_274 = tpu.matmul %select_n3A_211, %get3A_272, %dot_general3A_273 {dimension_numbers = #tpu.dot_dimension_numbers<[1], [0], [0], [1], [0, 0, 1, 1], [], []>, transpose_lhs_hint = false} : vector<400x128xf32>, vector<128x128xf32>, vector<400x128xf32> -> vector<400x128xf32>
    %add3A_275 = arith.addf %add3A_267, %dot_general3A_274 : vector<400x128xf32>
    %add3A_276 = arith.addf %get3A_25, %add3A_275 : vector<400x128xf32>
    %swap3A = arith.constant 0 : index
    %swap3A_277 = arith.constant 0 : index
    %swap3A_278 = vector.load %arg6[%swap3A, %swap3A_277] : memref<400x128xf32, #tpu.memory_space<vmem>>, vector<400x128xf32>
    tpu.vector_store %arg6[%swap3A, %swap3A_277], %add3A_276 {strides = array<i32>} : memref<400x128xf32, #tpu.memory_space<vmem>>, vector<400x128xf32>,
    return
  }
  func.func @transform_0(%arg0: i32) -> (i32, i32, i32) {
    %c0_i32 = arith.constant 0 : i32
    %c0_i32_0 = arith.constant 0 : i32
    %c0_i32_1 = arith.constant 0 : i32
    return %c0_i32, %arg0, %c0_i32_0 : i32, i32, i32
  }
  func.func @transform_1(%arg0: i32) -> (i32, i32, i32) {
    %c0_i32 = arith.constant 0 : i32
    %c0_i32_0 = arith.constant 0 : i32
    %c0_i32_1 = arith.constant 0 : i32
    return %c0_i32, %arg0, %c0_i32_0 : i32, i32, i32
  }
  func.func @transform_2(%arg0: i32) -> (i32, i32) {
    %c0_i32 = arith.constant 0 : i32
    %c0_i32_0 = arith.constant 0 : i32
    return %arg0, %c0_i32 : i32, i32
  }
  func.func @transform_3(%arg0: i32) -> (i32, i32) {
    %c0_i32 = arith.constant 0 : i32
    %c0_i32_0 = arith.constant 0 : i32
    %c0_i32_1 = arith.constant 0 : i32
    return %c0_i32, %c0_i32_0 : i32, i32
  }
  func.func @transform_4(%arg0: i32) -> (i32, i32, i32) {
    %c0_i32 = arith.constant 0 : i32
    %c0_i32_0 = arith.constant 0 : i32
    %c0_i32_1 = arith.constant 0 : i32
    %c0_i32_2 = arith.constant 0 : i32
    return %c0_i32, %c0_i32_0, %c0_i32_1 : i32, i32, i32
  }
  func.func @transform_5(%arg0: i32) -> (i32, i32) {
    %c0_i32 = arith.constant 0 : i32
    %c0_i32_0 = arith.constant 0 : i32
    return %arg0, %c0_i32 : i32, i32
  }
}

</mosaic_0001>

<sc_bundles>
// kernel: kernel.10.cloned.1.call-start
scs
__scs_entry_jumppad:
0x0: {  	(pc) =	sbr.rel $0x88, $3  }
0x1: {  	(tag) =	ssettag $0x0;
	lr =	simm.s32 $0x1  }
0x2: {  	[smem:$0x3F9B] =	sst lr;
	_ =	strace $0xD0000000  }
0x3: {  	_ = 	snop  }
0x4: {  	_ = 	snop  }
0x5: {  	_ = 	snop  }
0x6: {  	_ = 	snop  }
0x7: {  	_ = 	snop  }
__scs_overlays_trampoline_lowered:
0x8: {  	[smem:$0x3FAA] =	sst s0  }
0x9: {  	[smem:$0x3FAB] =	sst s1  }
0xa: {  	[smem:$0x3FAC] =	sst s2  }
0xb: {  	[smem:$0x3FAD] =	sst s3  }
0xc: {  	[smem:$0x3FAE] =	sst s4  }
0xd: {  	[smem:$0x3FAF] =	sst s5  }
0xe: {  	[smem:$0x3FB0] =	sst s6  }
0xf: {  	[smem:$0x3FB1] =	sst s7  }
0x10: {  	[smem:$0x3FB2] =	sst s8  }
0x11: {  	[smem:$0x3FB3] =	sst s9;
	s0 =	simm.s32 @!p0 $0x0  }
0x12: {  	s1 =	sld [smem:$0x3F99];
	s0 =	simm.s32 @p0 $0x1  }
0x13: {  	[smem:$0x3FB4] =	sst s0;
	s0 =	simm.s32 @!p1 $0x0  }
0x14: {  	s2 =	sld [smem:$0x3F98];
	s0 =	simm.s32 @p1 $0x1  }
0x15: {  	[smem:$0x3FB5] =	sst s0;
	s0 =	simm.s32 @!p2 $0x0  }
0x16: {  	s3 =	sld [smem:$0x3FDB];
	s0 =	simm.s32 @p2 $0x1  }
0x17: {  	s4 =	simm.s32 $0x1BF5;
	[smem:$0x3FB7] =	sst s0  }
0x18: {  	s0 =	sld [smem:$0x3F9A];
	_ =	swait.ge [sflag:s4], $0x0  }
0x19: {  	s7 =	sld [smem:$0x3F9B]  }
0x1a: {  	s8 =	sadd.s32 $0xFFFFE003, lr  }
0x1b: {  	s9 =	sadd.s32 $0xFFFFFEF7, lr;
	s5 =	simm.s32 $0xFFFFFFFF;
	p2 =	slt.u32 s8, $0xFFFFF086  }
0x1c: {  	p1 =	slt.u32 s9, $0xF7A;
	s5 =	simm.s32 @!p2 $0x0  }
0x1d: {  	s5 =	simm.s32 @p1 $0x1;
	p0 =	seq.s32 s7, s2  }
0x1e: {  	s7 =	smul.u32 @!p0 $0xF7A, s2;
	p2 =	seq.s32 @!p0 s5, $0x0  }
0x1f: {  	s9 =	smul.u32 $0xF7A, s1;
	s8 =	simm.s32 @!p0 $0x1BF5;
	p2 =	por !p2, p0  }
0x20: {  	[sflag:s8] =	ssyncset.s32 @!p0 $0xFFFFF086;
	s6 =	sadd.s32 @!p0 s3, s7;
	s7 =	simm.s32 @!p0 $0x108  }
0x21: {  	s3 =	sadd.s32 s3, s9;
	s6 =	sadd.s32 @!p0 $0x88, s6;
	s7 =	simm.s32 @p2 $0x1082  }
0x22: {  	[simem:s7], [sflag:s8] =	dma.local @!p0 [hbm:s6], $0xF7A  }
0x23: {  	s9 =	sor.u32 $0xD0000000, s2;
	s6 =	simm.s32 $0x108;
	_ =	swait.ge @!p0 [sflag:s8], $0x0  }
0x24: {  	s3 =	sadd.s32 $0x88, s3;
	s6 =	simm.s32 @!p1 $0x1082;
	[sflag:s4] =	ssyncset.s32 $0xFFFFF086  }
0x25: {  	[simem:s6], [sflag:s4] =	dma.local [hbm:s3], $0xF7A  }
0x26: {  	[smem:$0x3F9B] =	sst s1;
	(tag) =	ssettag s2;
	_ =	strace s9  }
0x27: {  	s1 =	sld [smem:$0x3FAB]  }
0x28: {  	s2 =	sld [smem:$0x3FAC]  }
0x29: {  	s4 =	sld [smem:$0x3FAE]  }
0x2a: {  	p0 =	seq.s32 s5, $0x0;
	s5 =	sld [smem:$0x3FAF]  }
0x2b: {  	s6 =	sld [smem:$0x3FB0]  }
0x2c: {  	s7 =	sld [smem:$0x3FB1]  }
0x2d: {  	s3 =	simm.s32 $0x108;
	s8 =	sld [smem:$0x3FB2]  }
0x2e: {  	s3 =	simm.s32 @!p0 $0x1082;
	s9 =	sld [smem:$0x3FB3]  }
0x2f: {  	lr =	sadd.s32 s0, s3;
	s0 =	sld [smem:$0x3FAA]  }
0x30: {  	s3 =	sld [smem:$0x3FAD]  }
0x31: {  	[smem:$0x3FB6] =	sst s10  }
0x32: {  	s10 =	sld [smem:$0x3FB4];
	_ =	sdelay $0x3  }
0x33: {  	p0 =	seq.s32 s10, $0x1;
	s10 =	sld [smem:$0x3FB6];
	_ =	sdelay $0x3  }
0x34: {  	[smem:$0x3FB6] =	sst s10  }
0x35: {  	s10 =	sld [smem:$0x3FB5];
	_ =	sdelay $0x3  }
0x36: {  	p1 =	seq.s32 s10, $0x1;
	s10 =	sld [smem:$0x3FB6];
	_ =	sdelay $0x3  }
0x37: {  	[smem:$0x3FB6] =	sst s10  }
0x38: {  	s10 =	sld [smem:$0x3FB7]  }
0x39: {  	_ = 	snop;
	(pc) =	sbr.ind lr, $3  }
0x3a: {  	_ = 	snop  }
0x3b: {  	_ = 	snop  }
0x3c: {  	p2 =	seq.s32 s10, $0x1;
	s10 =	sld [smem:$0x3FB6]  }
0x3d: {  	_ =	shalt  }
0x3e: {  	_ =	shalt  }
0x3f: {  	_ =	shalt  }
0x40: {  	_ =	shalt  }
0x41: {  	_ =	shalt  }
0x42: {  	_ =	shalt  }
0x43: {  	_ =	shalt  }
0x44: {  	_ =	shalt  }
0x45: {  	_ =	shalt  }
0x46: {  	_ =	shalt  }
0x47: {  	_ =	shalt  }
0x48: {  	_ =	shalt  }
0x49: {  	_ =	shalt  }
0x4a: {  	_ =	shalt  }
0x4b: {  	_ =	shalt  }
0x4c: {  	_ =	shalt  }
0x4d: {  	_ =	shalt  }
0x4e: {  	_ =	shalt  }
0x4f: {  	_ =	shalt  }
0x50: {  	_ =	shalt  }
0x51: {  	_ =	shalt  }
0x52: {  	_ =	shalt  }
0x53: {  	_ =	shalt  }
0x54: {  	_ =	shalt  }
0x55: {  	_ =	shalt  }
0x56: {  	_ =	shalt  }
0x57: {  	_ =	shalt  }
0x58: {  	_ =	shalt  }
0x59: {  	_ =	shalt  }
0x5a: {  	_ =	shalt  }
0x5b: {  	_ =	shalt  }
0x5c: {  	_ =	shalt  }
0x5d: {  	_ =	shalt  }
0x5e: {  	_ =	shalt  }
0x5f: {  	_ =	shalt  }
0x60: {  	_ =	shalt  }
0x61: {  	_ =	shalt  }
0x62: {  	_ =	shalt  }
0x63: {  	_ =	shalt  }
0x64: {  	_ =	shalt  }
0x65: {  	_ =	shalt  }
0x66: {  	_ =	shalt  }
0x67: {  	_ =	shalt  }
0x68: {  	_ =	shalt  }
0x69: {  	_ =	shalt  }
0x6a: {  	_ =	shalt  }
0x6b: {  	_ =	shalt  }
0x6c: {  	_ =	shalt  }
0x6d: {  	_ =	shalt  }
0x6e: {  	_ =	shalt  }
0x6f: {  	_ =	shalt  }
0x70: {  	_ =	shalt  }
0x71: {  	_ =	shalt  }
0x72: {  	_ =	shalt  }
0x73: {  	_ =	shalt  }
0x74: {  	_ =	shalt  }
0x75: {  	_ =	shalt  }
0x76: {  	_ =	shalt  }
0x77: {  	_ =	shalt  }
0x78: {  	_ =	shalt  }
0x79: {  	_ =	shalt  }
0x7a: {  	_ =	shalt  }
0x7b: {  	_ =	shalt  }
0x7c: {  	_ =	shalt  }
0x7d: {  	_ =	shalt  }
0x7e: {  	_ =	shalt  }
0x7f: {  	_ =	shalt  }
0x80: {  	_ =	shalt  }
0x81: {  	_ =	shalt  }
0x82: {  	_ =	shalt  }
0x83: {  	_ =	shalt  }
0x84: {  	_ =	shalt  }
0x85: {  	_ =	shalt  }
0x86: {  	_ =	shalt  }
0x87: {  	_ =	shalt  }
.Lfunc_end0:
.L_simem_size_0:
called_computation.1_lowered:
.L_overlay_start_0:
0x88: {  	s2 =	sld [smem:$0x3FD9]  }
0x89: {  	s3 =	sld [smem:$0x3FFE];
	_ =	sdelay $0x1  }
0x8a: {  	s1 =	srdreg.scid  }
0x8b: {  	s0 =	sand.u32 $0x1, s1  }
0x8c: {  	s17 =	sshll.u32 s0, $0xA;
	s2 =	sadd.s32 s3, s2  }
0x8d: {  	s2 =	sadd.s32 s2, s17  }
0x8e: {  	[smem:$0x3FC2] =	sst s2  }
0x8f: {  	_ = 	snop  }
0x90: {  	s2 =	sld [smem:$0x3FD0];
	(tm) =	ssettm $0x1  }
0x91: {  	s18 =	sld [smem:$0x3FFB];
	_ =	sdelay $0x3  }
0x92: {  	_ =	strace s18  }
0x93: {  	s3 =	sld [smem:$0x3FFC];
	_ =	sdelay $0x3  }
0x94: {  	_ =	strace s3  }
0x95: {  	s3 =	sld [smem:$0x3FFD];
	_ =	sdelay $0x3  }
0x96: {  	_ =	strace s3  }
0x97: {  	_ =	strace $0x8FFFFFFF  }
0x98: {  	s19 =	sld [smem:$0x3FDB];
	_ =	sdelay $0x1  }
0x99: {  	s4 =	simm.s32 $_scs_section_size  }
0x9a: {  	s5 =	simm.s32 $_size__tile_overlayer_lowered;
	s6 =	simm.s32 $_tile_overlayer_lowered  }
0x9b: {  	s22 =	simm.s32 $0x1BFF;
	s21 =	sshll.u32 s6, $0x1;
	s3 =	sadd.s32 s4, s19  }
0x9c: {  	s7 =	simm.s32 $0x0;
	s20 =	sshll.u32 s5, $0x1;
	s5 =	sadd.s32 s21, s3  }
0x9d: {  	[timem:s7], [sflag:s22] =	dma.local [hbm:s5], s20  }
0x9e: {  	_ =	swait.ge [sflag:s22], s20  }
0x9f: {  	s4 =	ssub.s32 $0x0, s20;
	[sflag:s22] =	ssyncset.done $0x0  }
0xa0: {  	[sflag:s22] =	ssyncadd.s32 s4;
	_ =	sdelay $0x1  }
0xa1: {  	s23 =	simm.s32 $0x1B8B  }
0xa2: {  	_ =	swait.ge [sflag:s23], $0x1  }
0xa3: {  	[sflag:s23] =	ssyncset.done $0x0  }
0xa4: {  	s25 =	simm.s32 $0x1B8E;
	s24 =	sld [smem:$0x3FFE];
	[sflag:s23] =	ssyncadd.s32 $0xFFFFFFFF  }
0xa5: {  	s26 =	simm.s32 $execute0_lowered;
	[smem:$0x3FD2] =	sst s25  }
0xa6: {  	s5 =	sshll.u32 s26, $0x1;
	_ =	strace $0x80000049;
	[dreg:$0x1] =	wrdreg $0xFFFFFFFF  }
0xa7: {  	s28 =	simm.s32 $_size_execute0_lowered;
	s3 =	sadd.s32 s3, s5;
	[dreg:$0x0] =	wrdreg $0x0  }
0xa8: {  	s5 =	sshll.u32 s28, $0x1;
	[dreg:$0x2] =	wrdreg s3  }
0xa9: {  	[dreg:$0x3] =	wrdreg s5  }
0xaa: {  	[dreg:$0x4] =	wrdreg $0xC0  }
0xab: {  	_ =	task [dreg:s7], $0x5FFFF  }
0xac: {  	[dreg:$0x1] =	wrdreg $0xFFFFFFFF  }
0xad: {  	[dreg:$0x0] =	wrdreg $0x60  }
0xae: {  	[dreg:$0x2] =	wrdreg s24  }
0xaf: {  	[dreg:$0x3] =	wrdreg s2  }
0xb0: {  	[dreg:$0x4] =	wrdreg $0xB0000  }
0xb1: {  	[dreg:$0x5] =	wrdreg $0x9  }
0xb2: {  	_ =	task.clear_ibuf [dreg:s7], $0x6FFFF;
	_ =	strace $0x90000049  }
0xb3: {  	s29 =	simm.s32 $0x9;
	_ =	strace $0x8000004B  }
0xb4: {  	_ =	swait.ge [sflag:s29], $0x1  }
0xb5: {  	[sflag:s29] =	ssyncadd.s32 $0xFFFFFFFF  }
0xb6: {  	_ =	strace $0x9000004B  }
0xb7: {  	_ =	sfence  }
0xb8: {  	s30 =	sld [smem:$0x0];
	_ =	sdelay $0x2  }
0xb9: {  	s31 =	sshll.u32 s1, $0xD;
	s1 =	sshrl.u32 s1, $0x2  }
0xba: {  	s3 =	sand.u32 $0x4000, s31;
	s1 =	sadd.s32 s1, s30  }
0xbb: {  	s0 =	sor.u32 s3, s0;
	s1 =	sshll.u32 s1, $0x11  }
0xbc: {  	s0 =	sor.u32 s1, s0  }
0xbd: {  	s0 =	sadd.s32 $0x8F2B, s0  }
0xbe: {  	[sflag:s0] =	ssyncadd.remote.s32 $0x1  }
0xbf: {  	_ =	sfence.sel $0xFFFF  }
0xc0: {  	[dreg:$0x0] =	wrdreg $0xFFFFFFFF;
	(pc) =	sbr.abs _section_cstart, $3  }
0xc1: {  	[dreg:$0x1] =	wrdreg $0xFFFFFFFF  }
0xc2: {  	_ =	task.clear_ibuf [dreg:s7], $0x2FFFF;
	_ =	strace $0x9FFFFFFF  }
0xc3: {  	(tm) =	ssettm $0x7FFFFFFF  }
tec
execute0_lowered:
.L_overlay_start_1:
0x0: {  	(tag) =	ssettag $0x1  }
0x1: {  	s6 =	rddreg [dreg:$0x0]  }
0x2: {  	s1 =	rddreg [dreg:$0x1]  }
0x3: {  	s2 =	rddreg [dreg:$0x2]  }
0x4: {  	s3 =	srdreg.scid;
	s0 =	rddreg [dreg:$0x3];
	s4 =	simm.s32 $0x0  }
0x5: {  	s17 =	simm.s32 $0x4;
	s18 =	simm.s32 $0x1800;
	s19 =	simm.s32 $0x1  }
0x6: {  	s20 =	simm.s32 $0x80;
	s21 =	simm.s32 $0x7000;
	s22 =	simm.s32 $0x2  }
0x7: {  	s23 =	simm.s32 $0x3;
	s24 =	simm.s32 $0x2C00;
	s5 =	sand.u32 $0x1, s3  }
0x8: {  	s25 =	simm.s32 $0x2C80;
	s3 =	stileid.u32;
	s7 =	smul.u32 $0x140000, s5  }
0x9: {  	[smem:$0x7FF] =	sst s4;
	s12 =	sadd.s32 $0xE600, s6;
	s8 =	smul.u32 $0x14000, s3  }
0xa: {  	s13 =	sadd.s32 $0x2600, s6;
	s29 =	smul.u32 $0x50000, s3;
	s9 =	sshll.u32 s3, $0x1  }
0xb: {  	_ =	strace $0x8000004A;
	s10 =	ssub.s32 $0x2, s5;
	s9 =	sor.u32 s5, s9  }
0xc: {  	s31 =	sshrl.u32 s10, $0x1;
	s7 =	sadd.s32 s8, s7;
	s30 =	sshrl.u32 s29, $0x2  }
0xd: {  	s9 =	smul.u32 $0x3000, s9;
	s15 =	ssub.s32 s10, s31;
	s7 =	sshrl.u32 s7, $0x3  }
0xe: {  	s5 =	sadd.s32 s30, s2;
	s15 =	smax.u32 s15, $0x1;
	s14 =	sadd.s32 s7, s6  }
0xf: {  	s6 =	sadd.s32 $0x4000, s5;
	s7 =	sadd.s32 $0x8000, s5;
	s11 =	sshrl.u32 s9, $0x3  }
0x10: {  	s8 =	sadd.s32 $0xC000, s5;
	s9 =	sadd.s32 $0x10000, s5;
	s10 =	sadd.s32 s12, s11  }
0x11: {  	s16 =	sadd.s32 $0x300, s11;
	s11 =	sadd.s32 s13, s11;
	s14 =	sadd.s32 $0x6A600, s14  }
0x12: {  	v0 =	vimm.f32 $0.0e+00;
	s12 =	sadd.s32 s12, s16;
	s13 =	sadd.s32 s13, s16;
	s16 =	simm.s32 $0x3000  }
.LBB2_1:
0x13: {  	s26 =	simm.s32 $0x0;
	s28 =	simm.s32 $0x200  }
.LBB2_2:
0x14: {  	p0 =	sne.s32 s28, $0xFE00;
	[tilespmem:s26+$0x3070] =	vst v0  }
0x15: {  	[tilespmem:s26+$0x3000] =	vst v0  }
0x16: {  	[tilespmem:s26+$0x3010] =	vst v0  }
.Ltmp0:
0x17: {  	[tilespmem:s26+$0x3020] =	vst v0;
	(pc) =	sbr.rel @p0 .LBB2_2-.Ltmp0, $4  }
0x18: {  	[tilespmem:s26+$0x3030] =	vst v0  }
0x19: {  	[tilespmem:s26+$0x3040] =	vst v0  }
0x1a: {  	[tilespmem:s26+$0x3050] =	vst v0  }
0x1b: {  	[tilespmem:s26+$0x3060] =	vst v0;
	s26 =	sshra.s32 s28, $0x2;
	s28 =	sadd.s32 $0x200, s28  }
0x1c: {  	[tilespmem:s26+$0x3070] =	vst v0  }
0x1d: {  	[tilespmem:s26+$0x3000] =	vst v0  }
0x1e: {  	[tilespmem:s26+$0x3010] =	vst v0  }
0x1f: {  	[tilespmem:s26+$0x3020] =	vst v0  }
0x20: {  	[tilespmem:s26+$0x3030] =	vst v0  }
0x21: {  	[tilespmem:s26+$0x3040] =	vst v0  }
0x22: {  	[tilespmem:s26+$0x3050] =	vst v0  }
0x23: {  	[tilespmem:s26+$0x3060] =	vst v0  }
0x24: {  	[spmem:s5] =	stream.linear.scatter [tilespmem:s16], [sflag:$0x4], $0x4000, $0x38;
	[tilespmem:$0x1F000] =	vst v63  }
0x25: {  	_ =	swait.ge [sflag:s17], $0x4000  }
0x26: {  	[sflag:s17] =	ssyncset.done $0x0  }
0x27: {  	[sflag:s17] =	ssyncadd.s32 $0xFFFFC000  }
0x28: {  	[spmem:s6] =	stream.linear.scatter [tilespmem:s16], [sflag:$0x4], $0x4000, $0x38;
	[tilespmem:$0x1F000] =	vst v63  }
0x29: {  	_ =	swait.ge [sflag:s17], $0x4000  }
0x2a: {  	[sflag:s17] =	ssyncset.done $0x0  }
0x2b: {  	[sflag:s17] =	ssyncadd.s32 $0xFFFFC000  }
0x2c: {  	[spmem:s7] =	stream.linear.scatter [tilespmem:s16], [sflag:$0x4], $0x4000, $0x38;
	[tilespmem:$0x1F000] =	vst v63  }
0x2d: {  	_ =	swait.ge [sflag:s17], $0x4000  }
0x2e: {  	[sflag:s17] =	ssyncset.done $0x0  }
0x2f: {  	[sflag:s17] =	ssyncadd.s32 $0xFFFFC000  }
0x30: {  	[spmem:s8] =	stream.linear.scatter [tilespmem:s16], [sflag:$0x4], $0x4000, $0x38;
	[tilespmem:$0x1F000] =	vst v63  }
0x31: {  	_ =	swait.ge [sflag:s17], $0x4000  }
0x32: {  	[sflag:s17] =	ssyncset.done $0x0  }
0x33: {  	[sflag:s17] =	ssyncadd.s32 $0xFFFFC000  }
0x34: {  	[spmem:s9] =	stream.linear.scatter [tilespmem:s16], [sflag:$0x4], $0x4000, $0x38;
	[tilespmem:$0x1F000] =	vst v63  }
0x35: {  	_ =	swait.ge [sflag:s17], $0x4000  }
0x36: {  	[sflag:s17] =	ssyncset.done $0x0  }
0x37: {  	s31 =	simm.s32 $0x0;
	[sflag:s17] =	ssyncadd.s32 $0xFFFFC000  }
0x38: {  	[tilespmem:s31], [sflag:$0x1] =	stream.linear.gather [hbm4b:s10+s31], $0x1500, $0x38;
	[tilespmem:$0x1F000] =	vst v63  }
0x39: {  	_ = 	snop  }
0x3a: {  	[tilespmem:s18], [sflag:$0x1] =	stream.linear.gather [hbm4b:s11+s31], $0x1500, $0x38;
	[tilespmem:$0x1F000] =	vst v63  }
0x3b: {  	_ =	swait.ge [sflag:s19], $0x1500  }
0x3c: {  	[sflag:s19] =	ssyncset.done $0x0  }
0x3d: {  	[sflag:s19] =	ssyncadd.s32 $0xFFFFEB00  }
0x3e: {  	_ =	swait.ge [sflag:s19], $0x1500  }
0x3f: {  	[sflag:s19] =	ssyncset.done $0x0  }
0x40: {  	[sflag:s19] =	ssyncadd.s32 $0xFFFFEB00  }
0x41: {  	[bflag:$0x0] =	sbarrier.arrive $0xFFFF  }
0x42: {  	[tilespmem:s16], [sflag:$0x2] =	stream.indirect.gather [hbm4b:s1+s20], $0x80, s31, s20, $0xb8;
	[tilespmem:$0x1F000] =	vst v63  }
0x43: {  	_ = 	snop  }
0x44: {  	[tilespmem:s21], [sflag:$0x3] =	stream.indirect.gather [hbm4b:s1+s20], $0x80, s20, s20, $0xb8;
	[tilespmem:$0x1F000] =	vst v63  }
0x45: {  	_ =	swait.ge [sflag:s22], $0x4000  }
0x46: {  	[sflag:s22] =	ssyncset.done $0x0  }
0x47: {  	s29 =	simm.s32 $0x1800;
	[sflag:s22] =	ssyncadd.s32 $0xFFFFC000  }
0x48: {  	[spmem:s2] =	stream.indirect.scatter.add.f32 [tilespmem:s16], [sflag:$0x4], $0x80, s29, s20, $0xb8;
	[tilespmem:$0x1F000] =	vst v63  }
0x49: {  	_ =	swait.ge [sflag:s17], $0x4000  }
0x4a: {  	[sflag:s17] =	ssyncset.done $0x0  }
0x4b: {  	s30 =	simm.s32 $0x100;
	[sflag:s17] =	ssyncadd.s32 $0xFFFFC000  }
0x4c: {  	[tilespmem:s16], [sflag:$0x2] =	stream.indirect.gather [hbm4b:s1+s20], $0x80, s30, s20, $0xb8;
	[tilespmem:$0x1F000] =	vst v63  }
0x4d: {  	_ =	swait.ge [sflag:s23], $0x4000  }
0x4e: {  	[sflag:s23] =	ssyncset.done $0x0  }
0x4f: {  	s31 =	simm.s32 $0x1880;
	[sflag:s23] =	ssyncadd.s32 $0xFFFFC000  }
0x50: {  	[spmem:s2] =	stream.indirect.scatter.add.f32 [tilespmem:s21], [sflag:$0x4], $0x80, s31, s20, $0xb8;
	[tilespmem:$0x1F000] =	vst v63  }
0x51: {  	_ =	swait.ge [sflag:s17], $0x4000  }
0x52: {  	[sflag:s17] =	ssyncset.done $0x0  }
0x53: {  	s26 =	simm.s32 $0x400;
	s28 =	simm.s32 $0x180;
	[sflag:s17] =	ssyncadd.s32 $0xFFFFC000  }
.LBB2_4:
0x54: {  	[tilespmem:s21], [sflag:$0x3] =	stream.indirect.gather [hbm4b:s1+s20], $0x80, s28, s20, $0xb8;
	[tilespmem:$0x1F000] =	vst v63  }
0x55: {  	s28 =	smov.u32 s26  }
0x56: {  	p0 =	sne.s32 s26, $0x4C00;
	s26 =	sadd.s32 $0x400, s26;
	_ =	swait.ge [sflag:s22], $0x4000  }
0x57: {  	s28 =	sshra.s32 s28, $0x2;
	[sflag:s22] =	ssyncset.done $0x0  }
0x58: {  	s29 =	sadd.s32 $0x1800, s28;
	[sflag:s22] =	ssyncadd.s32 $0xFFFFC000  }
0x59: {  	[spmem:s2] =	stream.indirect.scatter.add.f32 [tilespmem:s16], [sflag:$0x4], $0x80, s29, s20, $0xb8;
	[tilespmem:$0x1F000] =	vst v63  }
0x5a: {  	_ =	swait.ge [sflag:s17], $0x4000  }
0x5b: {  	[sflag:s17] =	ssyncset.done $0x0  }
0x5c: {  	s29 =	sadd.s32 $0x100, s28;
	[sflag:s17] =	ssyncadd.s32 $0xFFFFC000  }
0x5d: {  	[tilespmem:s16], [sflag:$0x2] =	stream.indirect.gather [hbm4b:s1+s20], $0x80, s29, s20, $0xb8;
	[tilespmem:$0x1F000] =	vst v63  }
0x5e: {  	_ =	swait.ge [sflag:s23], $0x4000  }
0x5f: {  	[sflag:s23] =	ssyncset.done $0x0  }
.Ltmp1:
0x60: {  	s29 =	sadd.s32 $0x1880, s28;
	[sflag:s23] =	ssyncadd.s32 $0xFFFFC000;
	(pc) =	sbr.rel @p0 .LBB2_4-.Ltmp1, $4  }
0x61: {  	[spmem:s2] =	stream.indirect.scatter.add.f32 [tilespmem:s21], [sflag:$0x4], $0x80, s29, s20, $0xb8;
	[tilespmem:$0x1F000] =	vst v63  }
0x62: {  	_ =	swait.ge [sflag:s17], $0x4000  }
0x63: {  	[sflag:s17] =	ssyncset.done $0x0  }
0x64: {  	s28 =	sadd.s32 $0x180, s28;
	[sflag:s17] =	ssyncadd.s32 $0xFFFFC000  }
0x65: {  	[tilespmem:s21], [sflag:$0x3] =	stream.indirect.gather [hbm4b:s1+s20], $0x80, s28, s20, $0xb8;
	[tilespmem:$0x1F000] =	vst v63  }
0x66: {  	_ =	swait.ge [sflag:s22], $0x4000  }
0x67: {  	[sflag:s22] =	ssyncset.done $0x0  }
0x68: {  	[sflag:s22] =	ssyncadd.s32 $0xFFFFC000  }
0x69: {  	[spmem:s2] =	stream.indirect.scatter.add.f32 [tilespmem:s16], [sflag:$0x4], $0x80, s24, s20, $0xb8;
	[tilespmem:$0x1F000] =	vst v63  }
0x6a: {  	_ =	swait.ge [sflag:s17], $0x4000  }
0x6b: {  	[sflag:s17] =	ssyncset.done $0x0  }
0x6c: {  	[sflag:s17] =	ssyncadd.s32 $0xFFFFC000  }
0x6d: {  	_ =	swait.ge [sflag:s23], $0x4000  }
0x6e: {  	[sflag:s23] =	ssyncset.done $0x0  }
0x6f: {  	[sflag:s23] =	ssyncadd.s32 $0xFFFFC000  }
0x70: {  	[spmem:s2] =	stream.indirect.scatter.add.f32 [tilespmem:s21], [sflag:$0x4], $0x80, s25, s20, $0xb8;
	[tilespmem:$0x1F000] =	vst v63  }
0x71: {  	_ =	swait.ge [sflag:s17], $0x4000  }
0x72: {  	[sflag:s17] =	ssyncset.done $0x0  }
0x73: {  	s26 =	simm.s32 $0x0;
	[sflag:s17] =	ssyncadd.s32 $0xFFFFC000  }
0x74: {  	[tilespmem:s26], [sflag:$0x1] =	stream.linear.gather [hbm4b:s12+s26], $0x1500, $0x38;
	[tilespmem:$0x1F000] =	vst v63  }
0x75: {  	_ = 	snop  }
0x76: {  	[tilespmem:s18], [sflag:$0x1] =	stream.linear.gather [hbm4b:s13+s26], $0x1500, $0x38;
	[tilespmem:$0x1F000] =	vst v63  }
0x77: {  	_ =	swait.ge [sflag:s19], $0x1500  }
0x78: {  	[sflag:s19] =	ssyncset.done $0x0  }
0x79: {  	[sflag:s19] =	ssyncadd.s32 $0xFFFFEB00  }
0x7a: {  	_ =	swait.ge [sflag:s19], $0x1500  }
0x7b: {  	[sflag:s19] =	ssyncset.done $0x0  }
0x7c: {  	[sflag:s19] =	ssyncadd.s32 $0xFFFFEB00  }
0x7d: {  	[tilespmem:s16], [sflag:$0x2] =	stream.indirect.gather [hbm4b:s1+s20], $0x80, s26, s20, $0xb8;
	[tilespmem:$0x1F000] =	vst v63  }
0x7e: {  	_ = 	snop  }
0x7f: {  	[tilespmem:s21], [sflag:$0x3] =	stream.indirect.gather [hbm4b:s1+s20], $0x80, s20, s20, $0xb8;
	[tilespmem:$0x1F000] =	vst v63  }
0x80: {  	_ =	swait.ge [sflag:s22], $0x4000  }
0x81: {  	[sflag:s22] =	ssyncset.done $0x0  }
0x82: {  	s29 =	simm.s32 $0x1800;
	[sflag:s22] =	ssyncadd.s32 $0xFFFFC000  }
0x83: {  	[spmem:s2] =	stream.indirect.scatter.add.f32 [tilespmem:s16], [sflag:$0x4], $0x80, s29, s20, $0xb8;
	[tilespmem:$0x1F000] =	vst v63  }
0x84: {  	_ =	swait.ge [sflag:s17], $0x4000  }
0x85: {  	[sflag:s17] =	ssyncset.done $0x0  }
0x86: {  	s30 =	simm.s32 $0x100;
	[sflag:s17] =	ssyncadd.s32 $0xFFFFC000  }
0x87: {  	[tilespmem:s16], [sflag:$0x2] =	stream.indirect.gather [hbm4b:s1+s20], $0x80, s30, s20, $0xb8;
	[tilespmem:$0x1F000] =	vst v63  }
0x88: {  	_ =	swait.ge [sflag:s23], $0x4000  }
0x89: {  	[sflag:s23] =	ssyncset.done $0x0  }
0x8a: {  	s31 =	simm.s32 $0x1880;
	[sflag:s23] =	ssyncadd.s32 $0xFFFFC000  }
0x8b: {  	[spmem:s2] =	stream.indirect.scatter.add.f32 [tilespmem:s21], [sflag:$0x4], $0x80, s31, s20, $0xb8;
	[tilespmem:$0x1F000] =	vst v63  }
0x8c: {  	_ =	swait.ge [sflag:s17], $0x4000  }
0x8d: {  	[sflag:s17] =	ssyncset.done $0x0  }
0x8e: {  	s28 =	simm.s32 $0x180;
	s26 =	simm.s32 $0x400;
	[sflag:s17] =	ssyncadd.s32 $0xFFFFC000  }
.LBB2_6:
0x8f: {  	[tilespmem:s21], [sflag:$0x3] =	stream.indirect.gather [hbm4b:s1+s20], $0x80, s28, s20, $0xb8;
	[tilespmem:$0x1F000] =	vst v63  }
0x90: {  	s28 =	smov.u32 s26  }
0x91: {  	p0 =	sne.s32 s26, $0x4C00;
	s26 =	sadd.s32 $0x400, s26;
	_ =	swait.ge [sflag:s22], $0x4000  }
0x92: {  	s28 =	sshra.s32 s28, $0x2;
	[sflag:s22] =	ssyncset.done $0x0  }
0x93: {  	s29 =	sadd.s32 $0x1800, s28;
	[sflag:s22] =	ssyncadd.s32 $0xFFFFC000  }
0x94: {  	[spmem:s2] =	stream.indirect.scatter.add.f32 [tilespmem:s16], [sflag:$0x4], $0x80, s29, s20, $0xb8;
	[tilespmem:$0x1F000] =	vst v63  }
0x95: {  	_ =	swait.ge [sflag:s17], $0x4000  }
0x96: {  	[sflag:s17] =	ssyncset.done $0x0  }
0x97: {  	s29 =	sadd.s32 $0x100, s28;
	[sflag:s17] =	ssyncadd.s32 $0xFFFFC000  }
0x98: {  	[tilespmem:s16], [sflag:$0x2] =	stream.indirect.gather [hbm4b:s1+s20], $0x80, s29, s20, $0xb8;
	[tilespmem:$0x1F000] =	vst v63  }
0x99: {  	_ =	swait.ge [sflag:s23], $0x4000  }
0x9a: {  	[sflag:s23] =	ssyncset.done $0x0  }
.Ltmp2:
0x9b: {  	s29 =	sadd.s32 $0x1880, s28;
	[sflag:s23] =	ssyncadd.s32 $0xFFFFC000;
	(pc) =	sbr.rel @p0 .LBB2_6-.Ltmp2, $4  }
0x9c: {  	[spmem:s2] =	stream.indirect.scatter.add.f32 [tilespmem:s21], [sflag:$0x4], $0x80, s29, s20, $0xb8;
	[tilespmem:$0x1F000] =	vst v63  }
0x9d: {  	_ =	swait.ge [sflag:s17], $0x4000  }
0x9e: {  	[sflag:s17] =	ssyncset.done $0x0  }
0x9f: {  	s28 =	sadd.s32 $0x180, s28;
	[sflag:s17] =	ssyncadd.s32 $0xFFFFC000  }
0xa0: {  	[tilespmem:s21], [sflag:$0x3] =	stream.indirect.gather [hbm4b:s1+s20], $0x80, s28, s20, $0xb8;
	[tilespmem:$0x1F000] =	vst v63  }
0xa1: {  	_ =	swait.ge [sflag:s22], $0x4000  }
0xa2: {  	[sflag:s22] =	ssyncset.done $0x0  }
0xa3: {  	[sflag:s22] =	ssyncadd.s32 $0xFFFFC000  }
0xa4: {  	[spmem:s2] =	stream.indirect.scatter.add.f32 [tilespmem:s16], [sflag:$0x4], $0x80, s24, s20, $0xb8;
	[tilespmem:$0x1F000] =	vst v63  }
0xa5: {  	_ =	swait.ge [sflag:s17], $0x4000  }
0xa6: {  	[sflag:s17] =	ssyncset.done $0x0  }
0xa7: {  	[sflag:s17] =	ssyncadd.s32 $0xFFFFC000  }
0xa8: {  	_ =	swait.ge [sflag:s23], $0x4000  }
0xa9: {  	[sflag:s23] =	ssyncset.done $0x0  }
0xaa: {  	[sflag:s23] =	ssyncadd.s32 $0xFFFFC000  }
0xab: {  	[spmem:s2] =	stream.indirect.scatter.add.f32 [tilespmem:s21], [sflag:$0x4], $0x80, s25, s20, $0xb8;
	[tilespmem:$0x1F000] =	vst v63  }
0xac: {  	_ =	swait.ge [sflag:s17], $0x4000  }
0xad: {  	s26 =	sshll.u32 s3, $0x6;
	s4 =	sadd.s32 $0x1, s4;
	[sflag:s17] =	ssyncset.done $0x0  }
0xae: {  	s31 =	sshrl.u32 s5, $0x3;
	p0 =	sne.s32 s4, s15;
	[sflag:s17] =	ssyncadd.s32 $0xFFFFC000  }
.Ltmp3:
0xaf: {  	s26 =	sor.u32 $0x1C04, s26;
	[bflag:$0x0] =	sbarrier.arrive $0xFFFF;
	(pc) =	sbr.rel @p0 .LBB2_1-.Ltmp3, $4  }
0xb0: {  	[hbm:s14], [sflag:s26] =	dma.local [spmem:s31], $0x2800  }
0xb1: {  	_ =	swait.ge [sflag:s17], $0x2800  }
0xb2: {  	[sflag:s17] =	ssyncset.done $0x0  }
0xb3: {  	[sflag:s17] =	ssyncadd.s32 $0xFFFFD800  }
0xb4: {  	_ =	sfence.sel $0x180000  }
0xb5: {  	[bflag:$0x0] =	sbarrier.arrive $0xFFFF  }
0xb6: {  	p0 =	sne.s32 s3, $0x0;
	_ =	strace $0x9000004A  }
0xb7: {  	s0 =	sadd.s32 @!p0 $0x100000, s0;
	[bflag:$0x2] =	sbarrier.arrive $0xFFFF  }
0xb8: {  	[sflag:s0] =	ssyncadd.tile.s32 @!p0 $0x1;
	_ =	shalt  }
.Lfunc_end2:
_tile_overlayer_lowered:
.L_overlay_start_2:
0xb9: {  	(tag) =	ssettag $0x2  }
0xba: {  	s0 =	rddreg [dreg:$0x0];
	s2 =	stileid.u32  }
0xbb: {  	s1 =	rddreg [dreg:$0x1];
	p0 =	sne.s32 s2, $0x0  }
0xbc: {  	s3 =	rddreg [dreg:$0x2];
	[bflag:$0x3] =	sbarrier.arrive $0xFFFF;
	s2 =	simm.s32 @!p0 $0x1C04  }
0xbd: {  	[timem:s3], [sflag:s2] =	dma.local @!p0 [hbm:s0], s1  }
0xbe: {  	s0 =	simm.s32 @!p0 $0x4  }
0xbf: {  	_ =	swait.ge @!p0 [sflag:s0], s1  }
0xc0: {  	s1 =	ssub.s32 @!p0 $0x0, s1;
	[sflag:s0] =	ssyncset.done @!p0 $0x0  }
0xc1: {  	[sflag:s0] =	ssyncadd.s32 @!p0 s1  }
0xc2: {  	[bflag:$0x3] =	sbarrier.arrive $0xFFFF  }
0xc3: {  	_ =	shalt  }

// kernel: kernel.7.cloned.1.call-start
scs
__scs_entry_jumppad:
0x0: {  	(pc) =	sbr.rel $0x88, $3  }
0x1: {  	(tag) =	ssettag $0x0;
	lr =	simm.s32 $0x1  }
0x2: {  	[smem:$0x3F9B] =	sst lr;
	_ =	strace $0xD0000000  }
0x3: {  	_ = 	snop  }
0x4: {  	_ = 	snop  }
0x5: {  	_ = 	snop  }
0x6: {  	_ = 	snop  }
0x7: {  	_ = 	snop  }
__scs_overlays_trampoline_lowered:
0x8: {  	[smem:$0x3FAA] =	sst s0  }
0x9: {  	[smem:$0x3FAB] =	sst s1  }
0xa: {  	[smem:$0x3FAC] =	sst s2  }
0xb: {  	[smem:$0x3FAD] =	sst s3  }
0xc: {  	[smem:$0x3FAE] =	sst s4  }
0xd: {  	[smem:$0x3FAF] =	sst s5  }
0xe: {  	[smem:$0x3FB0] =	sst s6  }
0xf: {  	[smem:$0x3FB1] =	sst s7  }
0x10: {  	[smem:$0x3FB2] =	sst s8  }
0x11: {  	[smem:$0x3FB3] =	sst s9;
	s0 =	simm.s32 @!p0 $0x0  }
0x12: {  	s1 =	sld [smem:$0x3F99];
	s0 =	simm.s32 @p0 $0x1  }
0x13: {  	[smem:$0x3FB4] =	sst s0;
	s0 =	simm.s32 @!p1 $0x0  }
0x14: {  	s2 =	sld [smem:$0x3F98];
	s0 =	simm.s32 @p1 $0x1  }
0x15: {  	[smem:$0x3FB5] =	sst s0;
	s0 =	simm.s32 @!p2 $0x0  }
0x16: {  	s3 =	sld [smem:$0x3FDB];
	s0 =	simm.s32 @p2 $0x1  }
0x17: {  	s4 =	simm.s32 $0x1BF5;
	[smem:$0x3FB7] =	sst s0  }
0x18: {  	s0 =	sld [smem:$0x3F9A];
	_ =	swait.ge [sflag:s4], $0x0  }
0x19: {  	s7 =	sld [smem:$0x3F9B]  }
0x1a: {  	s8 =	sadd.s32 $0xFFFFE003, lr  }
0x1b: {  	s9 =	sadd.s32 $0xFFFFFEF7, lr;
	s5 =	simm.s32 $0xFFFFFFFF;
	p2 =	slt.u32 s8, $0xFFFFF086  }
0x1c: {  	p1 =	slt.u32 s9, $0xF7A;
	s5 =	simm.s32 @!p2 $0x0  }
0x1d: {  	s5 =	simm.s32 @p1 $0x1;
	p0 =	seq.s32 s7, s2  }
0x1e: {  	s7 =	smul.u32 @!p0 $0xF7A, s2;
	p2 =	seq.s32 @!p0 s5, $0x0  }
0x1f: {  	s9 =	smul.u32 $0xF7A, s1;
	s8 =	simm.s32 @!p0 $0x1BF5;
	p2 =	por !p2, p0  }
0x20: {  	[sflag:s8] =	ssyncset.s32 @!p0 $0xFFFFF086;
	s6 =	sadd.s32 @!p0 s3, s7;
	s7 =	simm.s32 @!p0 $0x108  }
0x21: {  	s3 =	sadd.s32 s3, s9;
	s6 =	sadd.s32 @!p0 $0x88, s6;
	s7 =	simm.s32 @p2 $0x1082  }
0x22: {  	[simem:s7], [sflag:s8] =	dma.local @!p0 [hbm:s6], $0xF7A  }
0x23: {  	s9 =	sor.u32 $0xD0000000, s2;
	s6 =	simm.s32 $0x108;
	_ =	swait.ge @!p0 [sflag:s8], $0x0  }
0x24: {  	s3 =	sadd.s32 $0x88, s3;
	s6 =	simm.s32 @!p1 $0x1082;
	[sflag:s4] =	ssyncset.s32 $0xFFFFF086  }
0x25: {  	[simem:s6], [sflag:s4] =	dma.local [hbm:s3], $0xF7A  }
0x26: {  	[smem:$0x3F9B] =	sst s1;
	(tag) =	ssettag s2;
	_ =	strace s9  }
0x27: {  	s1 =	sld [smem:$0x3FAB]  }
0x28: {  	s2 =	sld [smem:$0x3FAC]  }
0x29: {  	s4 =	sld [smem:$0x3FAE]  }
0x2a: {  	p0 =	seq.s32 s5, $0x0;
	s5 =	sld [smem:$0x3FAF]  }
0x2b: {  	s6 =	sld [smem:$0x3FB0]  }
0x2c: {  	s7 =	sld [smem:$0x3FB1]  }
0x2d: {  	s3 =	simm.s32 $0x108;
	s8 =	sld [smem:$0x3FB2]  }
0x2e: {  	s3 =	simm.s32 @!p0 $0x1082;
	s9 =	sld [smem:$0x3FB3]  }
0x2f: {  	lr =	sadd.s32 s0, s3;
	s0 =	sld [smem:$0x3FAA]  }
0x30: {  	s3 =	sld [smem:$0x3FAD]  }
0x31: {  	[smem:$0x3FB6] =	sst s10  }
0x32: {  	s10 =	sld [smem:$0x3FB4];
	_ =	sdelay $0x3  }
0x33: {  	p0 =	seq.s32 s10, $0x1;
	s10 =	sld [smem:$0x3FB6];
	_ =	sdelay $0x3  }
0x34: {  	[smem:$0x3FB6] =	sst s10  }
0x35: {  	s10 =	sld [smem:$0x3FB5];
	_ =	sdelay $0x3  }
0x36: {  	p1 =	seq.s32 s10, $0x1;
	s10 =	sld [smem:$0x3FB6];
	_ =	sdelay $0x3  }
0x37: {  	[smem:$0x3FB6] =	sst s10  }
0x38: {  	s10 =	sld [smem:$0x3FB7]  }
0x39: {  	_ = 	snop;
	(pc) =	sbr.ind lr, $3  }
0x3a: {  	_ = 	snop  }
0x3b: {  	_ = 	snop  }
0x3c: {  	p2 =	seq.s32 s10, $0x1;
	s10 =	sld [smem:$0x3FB6]  }
0x3d: {  	_ =	shalt  }
0x3e: {  	_ =	shalt  }
0x3f: {  	_ =	shalt  }
0x40: {  	_ =	shalt  }
0x41: {  	_ =	shalt  }
0x42: {  	_ =	shalt  }
0x43: {  	_ =	shalt  }
0x44: {  	_ =	shalt  }
0x45: {  	_ =	shalt  }
0x46: {  	_ =	shalt  }
0x47: {  	_ =	shalt  }
0x48: {  	_ =	shalt  }
0x49: {  	_ =	shalt  }
0x4a: {  	_ =	shalt  }
0x4b: {  	_ =	shalt  }
0x4c: {  	_ =	shalt  }
0x4d: {  	_ =	shalt  }
0x4e: {  	_ =	shalt  }
0x4f: {  	_ =	shalt  }
0x50: {  	_ =	shalt  }
0x51: {  	_ =	shalt  }
0x52: {  	_ =	shalt  }
0x53: {  	_ =	shalt  }
0x54: {  	_ =	shalt  }
0x55: {  	_ =	shalt  }
0x56: {  	_ =	shalt  }
0x57: {  	_ =	shalt  }
0x58: {  	_ =	shalt  }
0x59: {  	_ =	shalt  }
0x5a: {  	_ =	shalt  }
0x5b: {  	_ =	shalt  }
0x5c: {  	_ =	shalt  }
0x5d: {  	_ =	shalt  }
0x5e: {  	_ =	shalt  }
0x5f: {  	_ =	shalt  }
0x60: {  	_ =	shalt  }
0x61: {  	_ =	shalt  }
0x62: {  	_ =	shalt  }
0x63: {  	_ =	shalt  }
0x64: {  	_ =	shalt  }
0x65: {  	_ =	shalt  }
0x66: {  	_ =	shalt  }
0x67: {  	_ =	shalt  }
0x68: {  	_ =	shalt  }
0x69: {  	_ =	shalt  }
0x6a: {  	_ =	shalt  }
0x6b: {  	_ =	shalt  }
0x6c: {  	_ =	shalt  }
0x6d: {  	_ =	shalt  }
0x6e: {  	_ =	shalt  }
0x6f: {  	_ =	shalt  }
0x70: {  	_ =	shalt  }
0x71: {  	_ =	shalt  }
0x72: {  	_ =	shalt  }
0x73: {  	_ =	shalt  }
0x74: {  	_ =	shalt  }
0x75: {  	_ =	shalt  }
0x76: {  	_ =	shalt  }
0x77: {  	_ =	shalt  }
0x78: {  	_ =	shalt  }
0x79: {  	_ =	shalt  }
0x7a: {  	_ =	shalt  }
0x7b: {  	_ =	shalt  }
0x7c: {  	_ =	shalt  }
0x7d: {  	_ =	shalt  }
0x7e: {  	_ =	shalt  }
0x7f: {  	_ =	shalt  }
0x80: {  	_ =	shalt  }
0x81: {  	_ =	shalt  }
0x82: {  	_ =	shalt  }
0x83: {  	_ =	shalt  }
0x84: {  	_ =	shalt  }
0x85: {  	_ =	shalt  }
0x86: {  	_ =	shalt  }
0x87: {  	_ =	shalt  }
.Lfunc_end0:
.L_simem_size_0:
called_computation_lowered:
.L_overlay_start_0:
0x88: {  	s2 =	sld [smem:$0x3FD9]  }
0x89: {  	s3 =	sld [smem:$0x3FFE];
	_ =	sdelay $0x1  }
0x8a: {  	s1 =	srdreg.scid  }
0x8b: {  	s0 =	sand.u32 $0x1, s1  }
0x8c: {  	s17 =	sshll.u32 s0, $0xA;
	s2 =	sadd.s32 s3, s2  }
0x8d: {  	s2 =	sadd.s32 s2, s17  }
0x8e: {  	[smem:$0x3FC2] =	sst s2  }
0x8f: {  	_ = 	snop  }
0x90: {  	s2 =	sld [smem:$0x3FD0];
	(tm) =	ssettm $0x1  }
0x91: {  	s18 =	sld [smem:$0x3FFB];
	_ =	sdelay $0x3  }
0x92: {  	_ =	strace s18  }
0x93: {  	s3 =	sld [smem:$0x3FFC];
	_ =	sdelay $0x3  }
0x94: {  	_ =	strace s3  }
0x95: {  	s3 =	sld [smem:$0x3FFD];
	_ =	sdelay $0x3  }
0x96: {  	_ =	strace s3  }
0x97: {  	_ =	strace $0x8FFFFFFF  }
0x98: {  	s19 =	sld [smem:$0x3FDB];
	_ =	sdelay $0x1  }
0x99: {  	s4 =	simm.s32 $_scs_section_size  }
0x9a: {  	s5 =	simm.s32 $_size__tile_overlayer_lowered;
	s6 =	simm.s32 $_tile_overlayer_lowered  }
0x9b: {  	s22 =	simm.s32 $0x1BFF;
	s21 =	sshll.u32 s6, $0x1;
	s3 =	sadd.s32 s4, s19  }
0x9c: {  	s7 =	simm.s32 $0x0;
	s20 =	sshll.u32 s5, $0x1;
	s5 =	sadd.s32 s21, s3  }
0x9d: {  	[timem:s7], [sflag:s22] =	dma.local [hbm:s5], s20  }
0x9e: {  	_ =	swait.ge [sflag:s22], s20  }
0x9f: {  	s4 =	ssub.s32 $0x0, s20;
	[sflag:s22] =	ssyncset.done $0x0  }
0xa0: {  	[sflag:s22] =	ssyncadd.s32 s4;
	_ =	sdelay $0x1  }
0xa1: {  	s23 =	simm.s32 $0x1B8B  }
0xa2: {  	_ =	swait.ge [sflag:s23], $0x1  }
0xa3: {  	[sflag:s23] =	ssyncset.done $0x0  }
0xa4: {  	s25 =	simm.s32 $0x1B8E;
	s24 =	sld [smem:$0x3FFE];
	[sflag:s23] =	ssyncadd.s32 $0xFFFFFFFF  }
0xa5: {  	s26 =	simm.s32 $execute0_lowered;
	[smem:$0x3FD2] =	sst s25  }
0xa6: {  	s5 =	sshll.u32 s26, $0x1;
	_ =	strace $0x80000046;
	[dreg:$0x1] =	wrdreg $0xFFFFFFFF  }
0xa7: {  	s28 =	simm.s32 $_size_execute0_lowered;
	s3 =	sadd.s32 s3, s5;
	[dreg:$0x0] =	wrdreg $0x0  }
0xa8: {  	s5 =	sshll.u32 s28, $0x1;
	[dreg:$0x2] =	wrdreg s3  }
0xa9: {  	[dreg:$0x3] =	wrdreg s5  }
0xaa: {  	[dreg:$0x4] =	wrdreg $0xC0  }
0xab: {  	_ =	task [dreg:s7], $0x5FFFF  }
0xac: {  	[dreg:$0x1] =	wrdreg $0xFFFFFFFF  }
0xad: {  	[dreg:$0x0] =	wrdreg $0x60  }
0xae: {  	[dreg:$0x2] =	wrdreg s2  }
0xaf: {  	[dreg:$0x3] =	wrdreg s24  }
0xb0: {  	[dreg:$0x4] =	wrdreg $0x2C800  }
0xb1: {  	[dreg:$0x5] =	wrdreg $0x9  }
0xb2: {  	_ =	task.clear_ibuf [dreg:s7], $0x6FFFF;
	_ =	strace $0x90000046  }
0xb3: {  	s29 =	simm.s32 $0x9;
	_ =	strace $0x80000048  }
0xb4: {  	_ =	swait.ge [sflag:s29], $0x1  }
0xb5: {  	[sflag:s29] =	ssyncadd.s32 $0xFFFFFFFF  }
0xb6: {  	_ =	strace $0x90000048  }
0xb7: {  	_ =	sfence  }
0xb8: {  	s30 =	sld [smem:$0x0];
	_ =	sdelay $0x2  }
0xb9: {  	s31 =	sshll.u32 s1, $0xD;
	s1 =	sshrl.u32 s1, $0x2  }
0xba: {  	s3 =	sand.u32 $0x4000, s31;
	s1 =	sadd.s32 s1, s30  }
0xbb: {  	s0 =	sor.u32 s3, s0;
	s1 =	sshll.u32 s1, $0x11  }
0xbc: {  	s0 =	sor.u32 s1, s0  }
0xbd: {  	s0 =	sadd.s32 $0x8F2B, s0  }
0xbe: {  	[sflag:s0] =	ssyncadd.remote.s32 $0x1  }
0xbf: {  	_ =	sfence.sel $0xFFFF  }
0xc0: {  	[dreg:$0x0] =	wrdreg $0xFFFFFFFF;
	(pc) =	sbr.abs _section_cstart, $3  }
0xc1: {  	[dreg:$0x1] =	wrdreg $0xFFFFFFFF  }
0xc2: {  	_ =	task.clear_ibuf [dreg:s7], $0x2FFFF;
	_ =	strace $0x9FFFFFFF  }
0xc3: {  	(tm) =	ssettm $0x7FFFFFFF  }
tec
execute0_lowered:
.L_overlay_start_1:
0x0: {  	(tag) =	ssettag $0x1  }
0x1: {  	s6 =	rddreg [dreg:$0x0]  }
0x2: {  	s4 =	rddreg [dreg:$0x1]  }
0x3: {  	s2 =	rddreg [dreg:$0x2]  }
0x4: {  	s1 =	stileid.u32;
	s0 =	rddreg [dreg:$0x3];
	s3 =	simm.s32 $0x0  }
0x5: {  	s7 =	srdreg.scid;
	s13 =	simm.s32 $0x2C00;
	s14 =	simm.s32 $0x20  }
0x6: {  	s15 =	simm.s32 $0x10;
	s16 =	simm.s32 $0x0;
	s5 =	smul.u32 $0x280, s1  }
0x7: {  	[smem:$0x7FF] =	sst s3;
	s7 =	sand.u32 $0x1, s7;
	s9 =	smul.u32 $0x500, s1  }
0x8: {  	s11 =	sshll.u32 s1, $0x1;
	s31 =	sshll.u32 s1, $0x6;
	_ =	strace $0x80000047  }
0x9: {  	s10 =	sshll.u32 s7, $0x7;
	s29 =	ssub.s32 $0x2, s7;
	s7 =	sor.u32 s7, s11  }
0xa: {  	s11 =	simm.s32 $0x1;
	s8 =	sshrl.u32 s5, $0x3;
	s9 =	sor.u32 s10, s9  }
0xb: {  	s12 =	sshrl.u32 s29, $0x1;
	s7 =	smul.u32 $0x580, s7;
	s30 =	sadd.s32 s5, s2  }
0xc: {  	s5 =	sor.u32 $0x1C02, s31;
	s8 =	sadd.s32 s8, s4;
	s9 =	sshrl.u32 s9, $0x3  }
0xd: {  	s10 =	ssub.s32 s29, s12;
	s12 =	simm.s32 $0x80;
	s9 =	sadd.s32 s9, s4  }
0xe: {  	s4 =	sadd.s32 $0x1600, s8;
	s6 =	sadd.s32 s6, s7;
	s8 =	smax.u32 s10, $0x1  }
0xf: {  	v0 =	vimm.f32 $1.000000000e+00;
	s10 =	simm.s32 $0x2;
	s7 =	sadd.s32 $0x1C00, s9;
	s9 =	sshrl.u32 s30, $0x3  }
.LBB2_1:
0x10: {  	[tilespmem:$0x2C00] =	vst v0  }
0x11: {  	[tilespmem:$0x2C10] =	vst v0  }
0x12: {  	[tilespmem:$0x2C20] =	vst v0  }
0x13: {  	[tilespmem:$0x2C30] =	vst v0  }
0x14: {  	[tilespmem:$0x2C40] =	vst v0  }
0x15: {  	[tilespmem:$0x2C50] =	vst v0  }
0x16: {  	[tilespmem:$0x2C60] =	vst v0  }
0x17: {  	[tilespmem:$0x2C70] =	vst v0  }
0x18: {  	[spmem:s9], [sflag:s5] =	dma.local [hbm:s4], $0x50  }
0x19: {  	_ =	swait.ge [sflag:s10], $0x50  }
0x1a: {  	[sflag:s10] =	ssyncset.done $0x0  }
0x1b: {  	[sflag:s10] =	ssyncadd.s32 $0xFFFFFFB0  }
0x1c: {  	[tilespmem:s3], [sflag:$0x1] =	stream.linear.gather [hbm4b:s6+s3], $0x2A00, $0x38;
	[tilespmem:$0x2F00] =	vst v63  }
0x1d: {  	_ =	swait.ge [sflag:s11], $0x2A00  }
0x1e: {  	[sflag:s11] =	ssyncset.done $0x0  }
0x1f: {  	[sflag:s11] =	ssyncadd.s32 $0xFFFFD600  }
0x20: {  	s17 =	simm.s32 $0x0;
	[bflag:$0x0] =	sbarrier.arrive $0xFFFF  }
0x21: {  	[spmem:s2] =	stream.indirect.scatter.add.f32 [tilespmem:s13], [sflag:$0x2], $0x1, s17, s12, $0xb8;
	[tilespmem:$0x2F00] =	vst v63  }
0x22: {  	_ =	swait.ge [sflag:s10], $0x80  }
0x23: {  	s17 =	simm.s32 $0x200;
	[sflag:s10] =	ssyncset.done $0x0  }
.LBB2_2:
0x24: {  	s18 =	sshra.s32 s17, $0x2;
	[sflag:s10] =	ssyncadd.s32 $0xFFFFFF80;
	p0 =	sne.s32 s17, $0xA600  }
0x25: {  	[spmem:s2] =	stream.indirect.scatter.add.f32 [tilespmem:s13], [sflag:$0x2], $0x1, s18, s12, $0xb8;
	[tilespmem:$0x2F00] =	vst v63  }
.Ltmp0:
0x26: {  	_ = 	snop;
	(pc) =	sbr.rel @p0 .LBB2_2-.Ltmp0, $4  }
0x27: {  	_ = 	snop  }
0x28: {  	s17 =	sadd.s32 $0x200, s17  }
0x29: {  	_ =	swait.ge [sflag:s10], $0x80  }
0x2a: {  	[sflag:s10] =	ssyncset.done $0x0  }
0x2b: {  	s16 =	sadd.s32 $0x1, s16  }
0x2c: {  	[sflag:s10] =	ssyncadd.s32 $0xFFFFFF80;
	p0 =	sne.s32 s16, s8  }
.Ltmp1:
0x2d: {  	[bflag:$0x0] =	sbarrier.arrive $0xFFFF;
	(pc) =	sbr.rel @p0 .LBB2_1-.Ltmp1, $4  }
0x2e: {  	[hbm:s7@s14], [sflag:s5] =	dma.strided [spmem:s9@s15], $0x50, s11, $0x10   }
0x2f: {  	_ =	swait.ge [sflag:s10], $0x50  }
0x30: {  	[sflag:s10] =	ssyncset.done $0x0  }
0x31: {  	[sflag:s10] =	ssyncadd.s32 $0xFFFFFFB0  }
0x32: {  	_ =	sfence.sel $0x180000  }
0x33: {  	[bflag:$0x0] =	sbarrier.arrive $0xFFFF  }
0x34: {  	p0 =	sne.s32 s1, $0x0;
	_ =	strace $0x90000047  }
0x35: {  	s0 =	sadd.s32 @!p0 $0x100000, s0;
	[bflag:$0x2] =	sbarrier.arrive $0xFFFF  }
0x36: {  	[sflag:s0] =	ssyncadd.tile.s32 @!p0 $0x1;
	_ =	shalt  }
.Lfunc_end2:
_tile_overlayer_lowered:
.L_overlay_start_2:
0x37: {  	(tag) =	ssettag $0x2  }
0x38: {  	s0 =	rddreg [dreg:$0x0];
	s2 =	stileid.u32  }
0x39: {  	s1 =	rddreg [dreg:$0x1];
	p0 =	sne.s32 s2, $0x0  }
0x3a: {  	s3 =	rddreg [dreg:$0x2];
	[bflag:$0x3] =	sbarrier.arrive $0xFFFF;
	s2 =	simm.s32 @!p0 $0x1C02  }
0x3b: {  	[timem:s3], [sflag:s2] =	dma.local @!p0 [hbm:s0], s1  }
0x3c: {  	s0 =	simm.s32 @!p0 $0x2  }
0x3d: {  	_ =	swait.ge @!p0 [sflag:s0], s1  }
0x3e: {  	s1 =	ssub.s32 @!p0 $0x0, s1;
	[sflag:s0] =	ssyncset.done @!p0 $0x0  }
0x3f: {  	[sflag:s0] =	ssyncadd.s32 @!p0 s1  }
0x40: {  	[bflag:$0x3] =	sbarrier.arrive $0xFFFF  }
0x41: {  	_ =	shalt  }

</sc_bundles>
